<compile_context>
chip_gen: v7x
topology: tpu7x:2x2x1
jax: 0.10.2.dev20260603
libtpu: 0.0.44.dev20260713+nightly
codegen_flags: <defaults>
</compile_context>

<pallas_src>
import functools

import jax
import jax.numpy as jnp
from jax import lax
from jax.experimental import pallas as pl
from jax.experimental.pallas import tpu as pltpu
from jax.experimental.pallas import tpu_sc as plsc

_NUM_CORES = 2
_NUM_SUBCORES = 16
_NW = _NUM_CORES * _NUM_SUBCORES
_LEAK = 0.01


def _lrelu(x):
    return jnp.where(x > 0, x, _LEAK * x)


def _mesh():
    return plsc.VectorSubcoreMesh(
        core_axis_name="c", subcore_axis_name="s",
        num_cores=_NUM_CORES, num_subcores=_NUM_SUBCORES)


def _wid():
    return lax.axis_index("s") * _NUM_CORES + lax.axis_index("c")


_NB = 8


def _make_gather(d, n_idx_rows):
    assert n_idx_rows % (_NW * _NB) == 0
    rows_per_w = n_idx_rows // _NW
    n_rounds = rows_per_w // _NB

    @functools.partial(
        pl.kernel,
        out_type=jax.ShapeDtypeStruct((n_idx_rows * 128, d), jnp.float32),
        mesh=_mesh(),
        scratch_types=[
            pltpu.VMEM((rows_per_w, 128), jnp.int32),
            pltpu.VMEM((_NB * 128, d), jnp.float32),
            pltpu.SemaphoreType.DMA,
            pltpu.SemaphoreType.DMA,
        ],
        compiler_params=pltpu.CompilerParams(use_tc_tiling_on_sc=False),
    )
    def gather_kernel(tab_hbm, idx_hbm, out_hbm, idx_v, rows_v, g_sem, st_sem):
        base = _wid() * rows_per_w
        pltpu.sync_copy(idx_hbm.at[pl.ds(base, rows_per_w)], idx_v)

        def round_body(t, carry):
            @pl.when(t > 0)
            def _():
                pltpu.make_async_copy(
                    rows_v, out_hbm.at[pl.ds(0, _NB * 128)], st_sem).wait()

            for s in range(_NB):
                pltpu.async_copy(
                    tab_hbm.at[idx_v.at[t * _NB + s]],
                    rows_v.at[pl.ds(s * 128, 128)],
                    g_sem)
            pltpu.make_async_copy(
                tab_hbm.at[pl.ds(0, _NB * 128)], rows_v, g_sem).wait()
            pltpu.async_copy(
                rows_v,
                out_hbm.at[pl.ds((base + t * _NB) * 128, _NB * 128)],
                st_sem)
            return carry

        lax.fori_loop(0, n_rounds, round_body, 0)
        pltpu.make_async_copy(
            rows_v, out_hbm.at[pl.ds(0, _NB * 128)], st_sem).wait()

    return gather_kernel


def _make_mlp(n_pairs, blk):
    assert n_pairs % blk == 0 and blk % 128 == 0
    grid = (n_pairs // blk,)

    def mlp_body(g_ref, w1_ref, b1_ref, w2_ref, b2_ref, w3_ref, b3_ref, v_ref):
        g = g_ref[...]
        h1 = _lrelu(
            lax.dot_general(g, w1_ref[...], (((1,), (1,)), ((), ())),
                            preferred_element_type=jnp.float32)
            + b1_ref[...])
        h2 = _lrelu(
            lax.dot_general(h1, w2_ref[...], (((1,), (1,)), ((), ())),
                            preferred_element_type=jnp.float32)
            + b2_ref[...])
        v = _lrelu(jnp.sum(h2 * w3_ref[...], axis=1) + b3_ref[0, 0])
        v_ref[...] = v.reshape(blk // 128, 128)

    return pl.pallas_call(
        mlp_body,
        grid=grid,
        in_specs=[
            pl.BlockSpec((blk, 128), lambda i: (i, 0)),
            pl.BlockSpec((64, 128), lambda i: (0, 0)),
            pl.BlockSpec((1, 64), lambda i: (0, 0)),
            pl.BlockSpec((32, 64), lambda i: (0, 0)),
            pl.BlockSpec((1, 32), lambda i: (0, 0)),
            pl.BlockSpec((1, 32), lambda i: (0, 0)),
            pl.BlockSpec(memory_space=pltpu.SMEM),
        ],
        out_specs=pl.BlockSpec((blk // 128, 128), lambda i: (i, 0)),
        out_shape=jax.ShapeDtypeStruct((n_pairs // 128, 128), jnp.float32),
    )


def _make_scatter(n_minor, n_major, n_pair_rows, pb):
    assert n_major % (2 * pb) == 0
    half = n_major // 2
    n_bands = half // pb
    band_el = pb * n_minor
    rows_per_t = n_pair_rows // _NUM_SUBCORES
    cap_rows = rows_per_t + 1

    @functools.partial(
        pl.kernel,
        out_type=jax.ShapeDtypeStruct((n_major * n_minor,), jnp.float32),
        mesh=_mesh(),
        scratch_types=[
            pltpu.VMEM((rows_per_t, 128), jnp.int32),
            pltpu.VMEM((rows_per_t, 128), jnp.int32),
            pltpu.VMEM((rows_per_t, 128), jnp.float32),
            pltpu.VMEM((cap_rows * 128,), jnp.int32),
            pltpu.VMEM((cap_rows * 128,), jnp.float32),
            pltpu.VMEM((cap_rows, 128), jnp.int32),
            pltpu.VMEM((cap_rows, 128), jnp.float32),
            pltpu.VMEM_SHARED((band_el + 128,), jnp.float32),
        ],
        compiler_params=pltpu.CompilerParams(
            use_tc_tiling_on_sc=False, needs_layout_passes=False),
    )
    def scatter_kernel(i0_hbm, i1_hbm, v_hbm, z_hbm, out_hbm,
                       i0_v, i1_v, v_v, lidx1, val1, lidx2, val2, band_sp):
        kc = lax.axis_index("c")
        ks = lax.axis_index("s")
        base = ks * rows_per_t
        pltpu.sync_copy(i0_hbm.at[pl.ds(base, rows_per_t)], i0_v)
        pltpu.sync_copy(i1_hbm.at[pl.ds(base, rows_per_t)], i1_v)
        pltpu.sync_copy(v_hbm.at[pl.ds(base, rows_per_t)], v_v)

        dump = jnp.full((16,), band_el, jnp.int32)

        def band_body(b, carry):
            pabs0 = kc * half + b * pb

            @pl.when(ks == 0)
            def _():
                pltpu.sync_copy(z_hbm, band_sp.at[pl.ds(0, band_el)])
            plsc.subcore_barrier()

            def scan_row(r, cnt):
                ps = [i1_v[r, pl.ds(k * 16, 16)] for k in range(8)]
                ms = [(p >= pabs0) & (p < pabs0 + pb) for p in ps]
                any_m = ms[0]
                for k in range(1, 8):
                    any_m = any_m | ms[k]
                n_row = plsc.all_reduce_population_count(any_m)[0]

                def hot(cnt2):
                    for k in range(8):
                        p, m = ps[k], ms[k]
                        c = i0_v[r, pl.ds(k * 16, 16)]
                        val = v_v[r, pl.ds(k * 16, 16)]
                        lidx = (p - pabs0) * n_minor + c
                        mi = m.astype(jnp.int32)
                        pos = cnt2 + plsc.cumsum(mi) - mi
                        plsc.store_scatter(lidx1, [pos], lidx, mask=m)
                        plsc.store_scatter(val1, [pos], val, mask=m)
                        cnt2 = cnt2 + plsc.all_reduce_population_count(m)[0]
                    return cnt2

                return lax.cond(n_row > 0, hot, lambda cnt2: cnt2, cnt)

            cnt = lax.fori_loop(0, rows_per_t, scan_row, 0)
            n_rows = (cnt + 127) >> 7

            def padfill(q, c2):
                lidx1[pl.ds(cnt + q * 16, 16)] = dump
                return c2
            lax.fori_loop(0, 8, padfill, 0)

            def to2d(i, c2):
                j = i >> 3
                k = i & 7
                lidx2[j, pl.ds(k * 16, 16)] = lidx1[pl.ds(i * 16, 16)]
                val2[j, pl.ds(k * 16, 16)] = val1[pl.ds(i * 16, 16)]
                return c2
            lax.fori_loop(0, n_rows * 8, to2d, 0)

            def scat_row(j, c2):
                pltpu.sync_copy(val2.at[j], band_sp.at[lidx2.at[j]])
                return c2
            lax.fori_loop(0, n_rows, scat_row, 0)
            plsc.subcore_barrier()

            @pl.when(ks == 0)
            def _():
                pltpu.sync_copy(band_sp.at[pl.ds(0, band_el)],
                                out_hbm.at[pl.ds(pabs0 * n_minor, band_el)])
            plsc.subcore_barrier()
            return carry

        lax.fori_loop(0, n_bands, band_body, 0)

    return scatter_kernel


def kernel(x0, x1, W1, b1, W2, b2, W3, b3, idx0, idx1):
    n_comp, d0 = x0.shape
    n_prot, d1 = x1.shape
    b = idx0.shape[0]
    bp = ((b + 32767) // 32768) * 32768
    pad = bp - b

    idx0p = jnp.concatenate([idx0, jnp.broadcast_to(idx0[:1], (pad,))])
    idx1p = jnp.concatenate([idx1, jnp.broadcast_to(idx1[:1], (pad,))])

    tab = jnp.concatenate([x0, x1], axis=0)
    ii = jnp.stack([idx0p, idx1p + n_comp], axis=1).reshape(2 * bp // 128, 128)

    g = _make_gather(d0, 2 * bp // 128)(tab, ii)
    g = g.reshape(bp, d0 + d1)

    v2d = _make_mlp(bp, 2048)(
        g, W1, b1.reshape(1, -1), W2, b2.reshape(1, -1),
        W3.reshape(1, -1), b3.reshape(1, 1))

    out_flat = _make_scatter(n_comp, n_prot, bp // 128, 25)(
        idx0p.reshape(bp // 128, 128),
        idx1p.reshape(bp // 128, 128),
        v2d,
        jnp.zeros((25 * n_comp,), jnp.float32))
    return out_flat.reshape(n_prot, n_comp).T

# --- scband reference (transcript-rebuilt; emitter-appended) ---
"""Pipeline reference for scband-mlp-decoder-right-41283225649498 (READ-ONLY COPY).

The authoritative reference and input builder live on the scoring server;
editing this copy changes nothing except your own understanding.
"""

import jax, jax.numpy as jnp
import numpy as np

N_COMPOUND = 10000
N_PROTEIN = 5000
N_PAIRS = 250000
IN1 = 64
IN2 = 64
DIM_PRED = 64


def setup_inputs(seed: int = 0) -> dict:
    key = jax.random.key(seed)
    ks = jax.random.split(key, 12)
    x0 = jax.random.normal(ks[0], (N_COMPOUND, IN1), dtype=jnp.float32)
    x1 = jax.random.normal(ks[1], (N_PROTEIN, IN2), dtype=jnp.float32)
    # idx = torch.nonzero(CPI_train_mask): list of (compound, protein) index pairs.
    # Duplicates are harmless: identical pairs produce identical scattered values.
    idx0 = jax.random.randint(ks[2], (N_PAIRS,), 0, N_COMPOUND, dtype=jnp.int32)
    idx1 = jax.random.randint(ks[3], (N_PAIRS,), 0, N_PROTEIN, dtype=jnp.int32)
    # nn.Sequential: Linear(128,64) -> LeakyReLU -> Linear(64,32) -> LeakyReLU -> Linear(32,1) -> LeakyReLU
    W1 = jax.random.normal(ks[4], (DIM_PRED, IN1 + IN2), dtype=jnp.float32) * 0.05
    b1 = jax.random.normal(ks[5], (DIM_PRED,), dtype=jnp.float32) * 0.05
    W2 = jax.random.normal(ks[6], (DIM_PRED // 2, DIM_PRED), dtype=jnp.float32) * 0.05
    b2 = jax.random.normal(ks[7], (DIM_PRED // 2,), dtype=jnp.float32) * 0.05
    W3 = jax.random.normal(ks[8], (1, DIM_PRED // 2), dtype=jnp.float32) * 0.05
    b3 = jax.random.normal(ks[9], (1,), dtype=jnp.float32) * 0.05
    return {"x0": x0, "x1": x1, "W1": W1, "b1": b1, "W2": W2, "b2": b2,
            "W3": W3, "b3": b3, "idx0": idx0, "idx1": idx1}


def reference(x0, x1, W1, b1, W2, b2, W3, b3, idx0, idx1):
    # Gather rows for each observed (compound, protein) pair and concat
    data = jnp.concatenate([jnp.take(x0, idx0, axis=0), jnp.take(x1, idx1, axis=0)], axis=1)
    h = jax.nn.leaky_relu(data @ W1.T + b1, negative_slope=0.01)
    h = jax.nn.leaky_relu(h @ W2.T + b2, negative_slope=0.01)
    v = jax.nn.leaky_relu(h @ W3.T + b3, negative_slope=0.01).reshape(-1)
    # Scatter-overwrite predictions into the dense [n_compound, n_protein] output
    out = jnp.zeros((x0.shape[0], x1.shape[0]), dtype=x0.dtype).at[idx0, idx1].set(v)
    return out

if __name__ == "__main__":
    import jax
    _d = setup_inputs()
    print(jax.jit(kernel)(*tuple(_d.values())))

</pallas_src>

<mosaic_0001>
#map = affine_map<(d0, d1) -> (0, 0)>
#map1 = affine_map<(d0, d1) -> (0)>
module attributes {stable_mosaic.version = 14 : i64} {
  func.func @scatter_kernel(%arg0: i32, %arg1: i32, %arg2: memref<2048x128xi32, #tpu.memory_space<hbm>>, %arg3: memref<2048x128xi32, #tpu.memory_space<hbm>>, %arg4: memref<2048x128xf32, #tpu.memory_space<hbm>>, %arg5: memref<250000xf32, #tpu.memory_space<hbm>>, %arg6: memref<50000000xf32, #tpu.memory_space<hbm>>, %arg7: memref<128x128xi32, #tpu.memory_space<vmem>>, %arg8: memref<128x128xi32, #tpu.memory_space<vmem>>, %arg9: memref<128x128xf32, #tpu.memory_space<vmem>>, %arg10: memref<16512xi32, #tpu.memory_space<vmem>>, %arg11: memref<16512xf32, #tpu.memory_space<vmem>>, %arg12: memref<129x128xi32, #tpu.memory_space<vmem>>, %arg13: memref<129x128xf32, #tpu.memory_space<vmem>>, %arg14: memref<250128xf32, #tpu.memory_space<vmem_shared>>) attributes {dimension_semantics = [#tpu.dimension_semantics<core_parallel>, #tpu.dimension_semantics<subcore_parallel>], iteration_bounds = array<i64: 2, 16>, scalar_prefetch = 0 : i64, scratch_operands = 8 : i64, tpu.core_type = #tpu.core_type<sc_vector_subcore>, window_params = [{transform_indices = #map}, {transform_indices = #map}, {transform_indices = #map}, {transform_indices = #map1}, {transform_indices = #map1}]} {
    %mul3A = arith.constant 128 : i32
    %mul3A_0 = arith.muli %arg1, %mul3A : i32
    "tpu.region"() ({
      %run_scoped3A = tpu.sem_alloc : memref<!tpu.dma_semaphore, #tpu.memory_space<semaphore_mem>>
      %dma_start3A = arith.constant 0 : i32
      %dma_start3A_7 = tpu.memref_slice %arg2[%mul3A_0, %dma_start3A] : memref<2048x128xi32, #tpu.memory_space<hbm>> -> memref<128x128xi32, #tpu.memory_space<hbm>>
      %dma_start3A_8 = arith.constant 0 : i32
      %dma_start3A_9 = tpu.memref_slice %arg2[%mul3A_0, %dma_start3A_8] : memref<2048x128xi32, #tpu.memory_space<hbm>> -> memref<128x128xi32, #tpu.memory_space<hbm>>
      tpu.enqueue_dma source(%dma_start3A_9 : memref<128x128xi32, #tpu.memory_space<hbm>>) target(%arg7 : memref<128x128xi32, #tpu.memory_space<vmem>>) target_semaphore(%run_scoped3A : memref<!tpu.dma_semaphore, #tpu.memory_space<semaphore_mem>>)
      %dma_wait3A = arith.constant 0 : i32
      %dma_wait3A_10 = tpu.memref_slice %arg2[%mul3A_0, %dma_wait3A] : memref<2048x128xi32, #tpu.memory_space<hbm>> -> memref<128x128xi32, #tpu.memory_space<hbm>>
      %dma_wait3A_11 = arith.constant 0 : i32
      %dma_wait3A_12 = tpu.memref_slice %arg2[%mul3A_0, %dma_wait3A_11] : memref<2048x128xi32, #tpu.memory_space<hbm>> -> memref<128x128xi32, #tpu.memory_space<hbm>>
      tpu.wait_dma2 semaphore(%run_scoped3A : memref<!tpu.dma_semaphore, #tpu.memory_space<semaphore_mem>>) src(%dma_wait3A_12 : memref<128x128xi32, #tpu.memory_space<hbm>>) dst(%arg7 : memref<128x128xi32, #tpu.memory_space<vmem>>)
      tpu.yield
    }) : () -> ()
    "tpu.region"() ({
      %run_scoped3A = tpu.sem_alloc : memref<!tpu.dma_semaphore, #tpu.memory_space<semaphore_mem>>
      %dma_start3A = arith.constant 0 : i32
      %dma_start3A_7 = tpu.memref_slice %arg3[%mul3A_0, %dma_start3A] : memref<2048x128xi32, #tpu.memory_space<hbm>> -> memref<128x128xi32, #tpu.memory_space<hbm>>
      %dma_start3A_8 = arith.constant 0 : i32
      %dma_start3A_9 = tpu.memref_slice %arg3[%mul3A_0, %dma_start3A_8] : memref<2048x128xi32, #tpu.memory_space<hbm>> -> memref<128x128xi32, #tpu.memory_space<hbm>>
      tpu.enqueue_dma source(%dma_start3A_9 : memref<128x128xi32, #tpu.memory_space<hbm>>) target(%arg8 : memref<128x128xi32, #tpu.memory_space<vmem>>) target_semaphore(%run_scoped3A : memref<!tpu.dma_semaphore, #tpu.memory_space<semaphore_mem>>)
      %dma_wait3A = arith.constant 0 : i32
      %dma_wait3A_10 = tpu.memref_slice %arg3[%mul3A_0, %dma_wait3A] : memref<2048x128xi32, #tpu.memory_space<hbm>> -> memref<128x128xi32, #tpu.memory_space<hbm>>
      %dma_wait3A_11 = arith.constant 0 : i32
      %dma_wait3A_12 = tpu.memref_slice %arg3[%mul3A_0, %dma_wait3A_11] : memref<2048x128xi32, #tpu.memory_space<hbm>> -> memref<128x128xi32, #tpu.memory_space<hbm>>
      tpu.wait_dma2 semaphore(%run_scoped3A : memref<!tpu.dma_semaphore, #tpu.memory_space<semaphore_mem>>) src(%dma_wait3A_12 : memref<128x128xi32, #tpu.memory_space<hbm>>) dst(%arg8 : memref<128x128xi32, #tpu.memory_space<vmem>>)
      tpu.yield
    }) : () -> ()
    "tpu.region"() ({
      %run_scoped3A = tpu.sem_alloc : memref<!tpu.dma_semaphore, #tpu.memory_space<semaphore_mem>>
      %dma_start3A = arith.constant 0 : i32
      %dma_start3A_7 = tpu.memref_slice %arg4[%mul3A_0, %dma_start3A] : memref<2048x128xf32, #tpu.memory_space<hbm>> -> memref<128x128xf32, #tpu.memory_space<hbm>>
      %dma_start3A_8 = arith.constant 0 : i32
      %dma_start3A_9 = tpu.memref_slice %arg4[%mul3A_0, %dma_start3A_8] : memref<2048x128xf32, #tpu.memory_space<hbm>> -> memref<128x128xf32, #tpu.memory_space<hbm>>
      tpu.enqueue_dma source(%dma_start3A_9 : memref<128x128xf32, #tpu.memory_space<hbm>>) target(%arg9 : memref<128x128xf32, #tpu.memory_space<vmem>>) target_semaphore(%run_scoped3A : memref<!tpu.dma_semaphore, #tpu.memory_space<semaphore_mem>>)
      %dma_wait3A = arith.constant 0 : i32
      %dma_wait3A_10 = tpu.memref_slice %arg4[%mul3A_0, %dma_wait3A] : memref<2048x128xf32, #tpu.memory_space<hbm>> -> memref<128x128xf32, #tpu.memory_space<hbm>>
      %dma_wait3A_11 = arith.constant 0 : i32
      %dma_wait3A_12 = tpu.memref_slice %arg4[%mul3A_0, %dma_wait3A_11] : memref<2048x128xf32, #tpu.memory_space<hbm>> -> memref<128x128xf32, #tpu.memory_space<hbm>>
      tpu.wait_dma2 semaphore(%run_scoped3A : memref<!tpu.dma_semaphore, #tpu.memory_space<semaphore_mem>>) src(%dma_wait3A_12 : memref<128x128xf32, #tpu.memory_space<hbm>>) dst(%arg9 : memref<128x128xf32, #tpu.memory_space<vmem>>)
      tpu.yield
    }) : () -> ()
    %broadcast_in_dim3A = arith.constant 250000 : i32
    %broadcast_in_dim3A_1 = vector.broadcast %broadcast_in_dim3A : i32 to vector<16xi32>
    %scan3A = arith.constant 0 : i32
    %scan3A_2 = arith.constant 0 : i32
    %scan3A_3 = arith.constant 100 : i32
    %scan3A_4 = arith.addi %scan3A_2, %scan3A_3 : i32
    %scan3A_5 = arith.constant 1 : i32
    scf.for %scan3A_7 = %scan3A_2 to %scan3A_4 step %scan3A_5  : i32 {
      %mul3A_8 = arith.constant 2500 : i32
      %mul3A_9 = arith.muli %arg0, %mul3A_8 : i32
      %mul3A_10 = arith.constant 25 : i32
      %mul3A_11 = arith.muli %scan3A_7, %mul3A_10 : i32
      %add3A = arith.addi %mul3A_9, %mul3A_11 : i32
      %eq3A = arith.constant 0 : i32
      %eq3A_12 = arith.cmpi eq, %arg1, %eq3A : i32
      %convert_element_type3A = arith.extui %eq3A_12 : i1 to i32
      %cond3A = arith.constant 0 : i32
      %cond3A_13 = arith.cmpi ne, %convert_element_type3A, %cond3A : i32
      scf.if %cond3A_13 {
        "tpu.region"() ({
          %run_scoped3A = tpu.sem_alloc : memref<!tpu.dma_semaphore, #tpu.memory_space<semaphore_mem>>
          %dma_start3A = arith.constant 0 : i32
          %dma_start3A_58 = tpu.memref_slice %arg14[%dma_start3A] : memref<250128xf32, #tpu.memory_space<vmem_shared>> -> memref<250000xf32, #tpu.memory_space<vmem_shared>>
          tpu.enqueue_dma source(%arg5 : memref<250000xf32, #tpu.memory_space<hbm>>) target(%dma_start3A_58 : memref<250000xf32, #tpu.memory_space<vmem_shared>>) target_semaphore(%run_scoped3A : memref<!tpu.dma_semaphore, #tpu.memory_space<semaphore_mem>>)
          %dma_wait3A = arith.constant 0 : i32
          %dma_wait3A_59 = tpu.memref_slice %arg14[%dma_wait3A] : memref<250128xf32, #tpu.memory_space<vmem_shared>> -> memref<250000xf32, #tpu.memory_space<vmem_shared>>
          tpu.wait_dma2 semaphore(%run_scoped3A : memref<!tpu.dma_semaphore, #tpu.memory_space<semaphore_mem>>) src(%arg5 : memref<250000xf32, #tpu.memory_space<hbm>>) dst(%dma_wait3A_59 : memref<250000xf32, #tpu.memory_space<vmem_shared>>)
          tpu.yield
        }) : () -> ()
      } else {
      }
      %barrier3A = arith.constant 0 : index
      tpu.barrier barrier_id(%barrier3A)
      %scan3A_14 = arith.constant 0 : i32
      %scan3A_15 = arith.constant 0 : i32
      %scan3A_16 = arith.constant 128 : i32
      %scan3A_17 = arith.addi %scan3A_15, %scan3A_16 : i32
      %scan3A_18 = arith.constant 1 : i32
      %scan3A_19 = scf.for %scan3A_58 = %scan3A_15 to %scan3A_17 step %scan3A_18 iter_args(%scan3A_59 = %scan3A_14) -> (i32)  : i32 {
        %get3A = arith.index_cast %scan3A_58 : i32 to index
        %get3A_60 = arith.constant 0 : index
        %get3A_61 = tpu.vector_load %arg8[%get3A, %get3A_60] {strides = array<i32>} : memref<128x128xi32, #tpu.memory_space<vmem>>, vector<16xi32>,
        %get3A_62 = arith.index_cast %scan3A_58 : i32 to index
        %get3A_63 = arith.constant 16 : index
        %get3A_64 = tpu.vector_load %arg8[%get3A_62, %get3A_63] {strides = array<i32>} : memref<128x128xi32, #tpu.memory_space<vmem>>, vector<16xi32>,
        %get3A_65 = arith.index_cast %scan3A_58 : i32 to index
        %get3A_66 = arith.constant 32 : index
        %get3A_67 = tpu.vector_load %arg8[%get3A_65, %get3A_66] {strides = array<i32>} : memref<128x128xi32, #tpu.memory_space<vmem>>, vector<16xi32>,
        %get3A_68 = arith.index_cast %scan3A_58 : i32 to index
        %get3A_69 = arith.constant 48 : index
        %get3A_70 = tpu.vector_load %arg8[%get3A_68, %get3A_69] {strides = array<i32>} : memref<128x128xi32, #tpu.memory_space<vmem>>, vector<16xi32>,
        %get3A_71 = arith.index_cast %scan3A_58 : i32 to index
        %get3A_72 = arith.constant 64 : index
        %get3A_73 = tpu.vector_load %arg8[%get3A_71, %get3A_72] {strides = array<i32>} : memref<128x128xi32, #tpu.memory_space<vmem>>, vector<16xi32>,
        %get3A_74 = arith.index_cast %scan3A_58 : i32 to index
        %get3A_75 = arith.constant 80 : index
        %get3A_76 = tpu.vector_load %arg8[%get3A_74, %get3A_75] {strides = array<i32>} : memref<128x128xi32, #tpu.memory_space<vmem>>, vector<16xi32>,
        %get3A_77 = arith.index_cast %scan3A_58 : i32 to index
        %get3A_78 = arith.constant 96 : index
        %get3A_79 = tpu.vector_load %arg8[%get3A_77, %get3A_78] {strides = array<i32>} : memref<128x128xi32, #tpu.memory_space<vmem>>, vector<16xi32>,
        %get3A_80 = arith.index_cast %scan3A_58 : i32 to index
        %get3A_81 = arith.constant 112 : index
        %get3A_82 = tpu.vector_load %arg8[%get3A_80, %get3A_81] {strides = array<i32>} : memref<128x128xi32, #tpu.memory_space<vmem>>, vector<16xi32>,
        %ge3A = vector.broadcast %add3A : i32 to vector<16xi32>
        %ge3A_83 = arith.cmpi sge, %get3A_61, %ge3A : vector<16xi32>
        %add3A_84 = arith.constant 25 : i32
        %add3A_85 = arith.addi %add3A, %add3A_84 : i32
        %lt3A = vector.broadcast %add3A_85 : i32 to vector<16xi32>
        %lt3A_86 = arith.cmpi slt, %get3A_61, %lt3A : vector<16xi32>
        %and3A = arith.andi %ge3A_83, %lt3A_86 : vector<16xi1>
        %ge3A_87 = vector.broadcast %add3A : i32 to vector<16xi32>
        %ge3A_88 = arith.cmpi sge, %get3A_64, %ge3A_87 : vector<16xi32>
        %add3A_89 = arith.constant 25 : i32
        %add3A_90 = arith.addi %add3A, %add3A_89 : i32
        %lt3A_91 = vector.broadcast %add3A_90 : i32 to vector<16xi32>
        %lt3A_92 = arith.cmpi slt, %get3A_64, %lt3A_91 : vector<16xi32>
        %and3A_93 = arith.andi %ge3A_88, %lt3A_92 : vector<16xi1>
        %ge3A_94 = vector.broadcast %add3A : i32 to vector<16xi32>
        %ge3A_95 = arith.cmpi sge, %get3A_67, %ge3A_94 : vector<16xi32>
        %add3A_96 = arith.constant 25 : i32
        %add3A_97 = arith.addi %add3A, %add3A_96 : i32
        %lt3A_98 = vector.broadcast %add3A_97 : i32 to vector<16xi32>
        %lt3A_99 = arith.cmpi slt, %get3A_67, %lt3A_98 : vector<16xi32>
        %and3A_100 = arith.andi %ge3A_95, %lt3A_99 : vector<16xi1>
        %ge3A_101 = vector.broadcast %add3A : i32 to vector<16xi32>
        %ge3A_102 = arith.cmpi sge, %get3A_70, %ge3A_101 : vector<16xi32>
        %add3A_103 = arith.constant 25 : i32
        %add3A_104 = arith.addi %add3A, %add3A_103 : i32
        %lt3A_105 = vector.broadcast %add3A_104 : i32 to vector<16xi32>
        %lt3A_106 = arith.cmpi slt, %get3A_70, %lt3A_105 : vector<16xi32>
        %and3A_107 = arith.andi %ge3A_102, %lt3A_106 : vector<16xi1>
        %ge3A_108 = vector.broadcast %add3A : i32 to vector<16xi32>
        %ge3A_109 = arith.cmpi sge, %get3A_73, %ge3A_108 : vector<16xi32>
        %add3A_110 = arith.constant 25 : i32
        %add3A_111 = arith.addi %add3A, %add3A_110 : i32
        %lt3A_112 = vector.broadcast %add3A_111 : i32 to vector<16xi32>
        %lt3A_113 = arith.cmpi slt, %get3A_73, %lt3A_112 : vector<16xi32>
        %and3A_114 = arith.andi %ge3A_109, %lt3A_113 : vector<16xi1>
        %ge3A_115 = vector.broadcast %add3A : i32 to vector<16xi32>
        %ge3A_116 = arith.cmpi sge, %get3A_76, %ge3A_115 : vector<16xi32>
        %add3A_117 = arith.constant 25 : i32
        %add3A_118 = arith.addi %add3A, %add3A_117 : i32
        %lt3A_119 = vector.broadcast %add3A_118 : i32 to vector<16xi32>
        %lt3A_120 = arith.cmpi slt, %get3A_76, %lt3A_119 : vector<16xi32>
        %and3A_121 = arith.andi %ge3A_116, %lt3A_120 : vector<16xi1>
        %ge3A_122 = vector.broadcast %add3A : i32 to vector<16xi32>
        %ge3A_123 = arith.cmpi sge, %get3A_79, %ge3A_122 : vector<16xi32>
        %add3A_124 = arith.constant 25 : i32
        %add3A_125 = arith.addi %add3A, %add3A_124 : i32
        %lt3A_126 = vector.broadcast %add3A_125 : i32 to vector<16xi32>
        %lt3A_127 = arith.cmpi slt, %get3A_79, %lt3A_126 : vector<16xi32>
        %and3A_128 = arith.andi %ge3A_123, %lt3A_127 : vector<16xi1>
        %ge3A_129 = vector.broadcast %add3A : i32 to vector<16xi32>
        %ge3A_130 = arith.cmpi sge, %get3A_82, %ge3A_129 : vector<16xi32>
        %add3A_131 = arith.constant 25 : i32
        %add3A_132 = arith.addi %add3A, %add3A_131 : i32
        %lt3A_133 = vector.broadcast %add3A_132 : i32 to vector<16xi32>
        %lt3A_134 = arith.cmpi slt, %get3A_82, %lt3A_133 : vector<16xi32>
        %and3A_135 = arith.andi %ge3A_130, %lt3A_134 : vector<16xi1>
        %or3A = arith.ori %and3A, %and3A_93 : vector<16xi1>
        %or3A_136 = arith.ori %or3A, %and3A_100 : vector<16xi1>
        %or3A_137 = arith.ori %or3A_136, %and3A_107 : vector<16xi1>
        %or3A_138 = arith.ori %or3A_137, %and3A_114 : vector<16xi1>
        %or3A_139 = arith.ori %or3A_138, %and3A_121 : vector<16xi1>
        %or3A_140 = arith.ori %or3A_139, %and3A_128 : vector<16xi1>
        %or3A_141 = arith.ori %or3A_140, %and3A_135 : vector<16xi1>
        %all_reduce_population_count3A = tpu.all_reduce %or3A_141 {dim = 0 : i64, kind = #tpu.reduction_kind<sum>} : vector<16xi1> -> vector<16xi32>
        %slice3A = vector.extract_strided_slice %all_reduce_population_count3A {offsets = [0], sizes = [1], strides = [1]} : vector<16xi32> to vector<1xi32>
        %squeeze3A = vector.extract %slice3A[0] : i32 from vector<1xi32>
        %gt3A = arith.constant 0 : i32
        %gt3A_142 = arith.cmpi sgt, %squeeze3A, %gt3A : i32
        %convert_element_type3A_143 = arith.extui %gt3A_142 : i1 to i32
        %cond3A_144 = arith.constant 0 : i32
        %cond3A_145 = arith.cmpi ne, %convert_element_type3A_143, %cond3A_144 : i32
        %cond3A_146 = scf.if %cond3A_145 -> (i32) {
          %get3A_147 = arith.index_cast %scan3A_58 : i32 to index
          %get3A_148 = arith.constant 0 : index
          %get3A_149 = tpu.vector_load %arg7[%get3A_147, %get3A_148] {strides = array<i32>} : memref<128x128xi32, #tpu.memory_space<vmem>>, vector<16xi32>,
          %get3A_150 = arith.index_cast %scan3A_58 : i32 to index
          %get3A_151 = arith.constant 0 : index
          %get3A_152 = tpu.vector_load %arg9[%get3A_150, %get3A_151] {strides = array<i32>} : memref<128x128xf32, #tpu.memory_space<vmem>>, vector<16xf32>,
          %sub3A = vector.broadcast %add3A : i32 to vector<16xi32>
          %sub3A_153 = arith.subi %get3A_61, %sub3A : vector<16xi32>
          %mul3A_154 = arith.constant 10000 : i32
          %mul3A_155 = vector.broadcast %mul3A_154 : i32 to vector<16xi32>
          %mul3A_156 = arith.muli %sub3A_153, %mul3A_155 : vector<16xi32>
          %add3A_157 = arith.addi %mul3A_156, %get3A_149 : vector<16xi32>
          %convert_element_type3A_158 = arith.extui %and3A : vector<16xi1> to vector<16xi32>
          %broadcast_in_dim3A_159 = arith.constant true
          %broadcast_in_dim3A_160 = vector.broadcast %broadcast_in_dim3A_159 : i1 to vector<16xi1>
          %masked_cumsum3A = tpu.scan <sum>, %convert_element_type3A_158 masked %broadcast_in_dim3A_160 : vector<16xi32>, vector<16xi1> -> vector<16xi32>
          %add3A_161 = vector.broadcast %scan3A_59 : i32 to vector<16xi32>
          %add3A_162 = arith.addi %add3A_161, %masked_cumsum3A : vector<16xi32>
          %sub3A_163 = arith.subi %add3A_162, %convert_element_type3A_158 : vector<16xi32>
          tpu.vector_store_idx %arg10[%sub3A_163], %add3A_157 masked %and3A : memref<16512xi32, #tpu.memory_space<vmem>>[vector<16xi32>], vector<16xi32>, vector<16xi1>
          tpu.vector_store_idx %arg11[%sub3A_163], %get3A_152 masked %and3A : memref<16512xf32, #tpu.memory_space<vmem>>[vector<16xi32>], vector<16xf32>, vector<16xi1>
          %all_reduce_population_count3A_164 = tpu.all_reduce %and3A {dim = 0 : i64, kind = #tpu.reduction_kind<sum>} : vector<16xi1> -> vector<16xi32>
          %slice3A_165 = vector.extract_strided_slice %all_reduce_population_count3A_164 {offsets = [0], sizes = [1], strides = [1]} : vector<16xi32> to vector<1xi32>
          %squeeze3A_166 = vector.extract %slice3A_165[0] : i32 from vector<1xi32>
          %add3A_167 = arith.addi %scan3A_59, %squeeze3A_166 : i32
          %get3A_168 = arith.index_cast %scan3A_58 : i32 to index
          %get3A_169 = arith.constant 16 : index
          %get3A_170 = tpu.vector_load %arg7[%get3A_168, %get3A_169] {strides = array<i32>} : memref<128x128xi32, #tpu.memory_space<vmem>>, vector<16xi32>,
          %get3A_171 = arith.index_cast %scan3A_58 : i32 to index
          %get3A_172 = arith.constant 16 : index
          %get3A_173 = tpu.vector_load %arg9[%get3A_171, %get3A_172] {strides = array<i32>} : memref<128x128xf32, #tpu.memory_space<vmem>>, vector<16xf32>,
          %sub3A_174 = vector.broadcast %add3A : i32 to vector<16xi32>
          %sub3A_175 = arith.subi %get3A_64, %sub3A_174 : vector<16xi32>
          %mul3A_176 = arith.constant 10000 : i32
          %mul3A_177 = vector.broadcast %mul3A_176 : i32 to vector<16xi32>
          %mul3A_178 = arith.muli %sub3A_175, %mul3A_177 : vector<16xi32>
          %add3A_179 = arith.addi %mul3A_178, %get3A_170 : vector<16xi32>
          %convert_element_type3A_180 = arith.extui %and3A_93 : vector<16xi1> to vector<16xi32>
          %broadcast_in_dim3A_181 = arith.constant true
          %broadcast_in_dim3A_182 = vector.broadcast %broadcast_in_dim3A_181 : i1 to vector<16xi1>
          %masked_cumsum3A_183 = tpu.scan <sum>, %convert_element_type3A_180 masked %broadcast_in_dim3A_182 : vector<16xi32>, vector<16xi1> -> vector<16xi32>
          %add3A_184 = vector.broadcast %add3A_167 : i32 to vector<16xi32>
          %add3A_185 = arith.addi %add3A_184, %masked_cumsum3A_183 : vector<16xi32>
          %sub3A_186 = arith.subi %add3A_185, %convert_element_type3A_180 : vector<16xi32>
          tpu.vector_store_idx %arg10[%sub3A_186], %add3A_179 masked %and3A_93 : memref<16512xi32, #tpu.memory_space<vmem>>[vector<16xi32>], vector<16xi32>, vector<16xi1>
          tpu.vector_store_idx %arg11[%sub3A_186], %get3A_173 masked %and3A_93 : memref<16512xf32, #tpu.memory_space<vmem>>[vector<16xi32>], vector<16xf32>, vector<16xi1>
          %all_reduce_population_count3A_187 = tpu.all_reduce %and3A_93 {dim = 0 : i64, kind = #tpu.reduction_kind<sum>} : vector<16xi1> -> vector<16xi32>
          %slice3A_188 = vector.extract_strided_slice %all_reduce_population_count3A_187 {offsets = [0], sizes = [1], strides = [1]} : vector<16xi32> to vector<1xi32>
          %squeeze3A_189 = vector.extract %slice3A_188[0] : i32 from vector<1xi32>
          %add3A_190 = arith.addi %add3A_167, %squeeze3A_189 : i32
          %get3A_191 = arith.index_cast %scan3A_58 : i32 to index
          %get3A_192 = arith.constant 32 : index
          %get3A_193 = tpu.vector_load %arg7[%get3A_191, %get3A_192] {strides = array<i32>} : memref<128x128xi32, #tpu.memory_space<vmem>>, vector<16xi32>,
          %get3A_194 = arith.index_cast %scan3A_58 : i32 to index
          %get3A_195 = arith.constant 32 : index
          %get3A_196 = tpu.vector_load %arg9[%get3A_194, %get3A_195] {strides = array<i32>} : memref<128x128xf32, #tpu.memory_space<vmem>>, vector<16xf32>,
          %sub3A_197 = vector.broadcast %add3A : i32 to vector<16xi32>
          %sub3A_198 = arith.subi %get3A_67, %sub3A_197 : vector<16xi32>
          %mul3A_199 = arith.constant 10000 : i32
          %mul3A_200 = vector.broadcast %mul3A_199 : i32 to vector<16xi32>
          %mul3A_201 = arith.muli %sub3A_198, %mul3A_200 : vector<16xi32>
          %add3A_202 = arith.addi %mul3A_201, %get3A_193 : vector<16xi32>
          %convert_element_type3A_203 = arith.extui %and3A_100 : vector<16xi1> to vector<16xi32>
          %broadcast_in_dim3A_204 = arith.constant true
          %broadcast_in_dim3A_205 = vector.broadcast %broadcast_in_dim3A_204 : i1 to vector<16xi1>
          %masked_cumsum3A_206 = tpu.scan <sum>, %convert_element_type3A_203 masked %broadcast_in_dim3A_205 : vector<16xi32>, vector<16xi1> -> vector<16xi32>
          %add3A_207 = vector.broadcast %add3A_190 : i32 to vector<16xi32>
          %add3A_208 = arith.addi %add3A_207, %masked_cumsum3A_206 : vector<16xi32>
          %sub3A_209 = arith.subi %add3A_208, %convert_element_type3A_203 : vector<16xi32>
          tpu.vector_store_idx %arg10[%sub3A_209], %add3A_202 masked %and3A_100 : memref<16512xi32, #tpu.memory_space<vmem>>[vector<16xi32>], vector<16xi32>, vector<16xi1>
          tpu.vector_store_idx %arg11[%sub3A_209], %get3A_196 masked %and3A_100 : memref<16512xf32, #tpu.memory_space<vmem>>[vector<16xi32>], vector<16xf32>, vector<16xi1>
          %all_reduce_population_count3A_210 = tpu.all_reduce %and3A_100 {dim = 0 : i64, kind = #tpu.reduction_kind<sum>} : vector<16xi1> -> vector<16xi32>
          %slice3A_211 = vector.extract_strided_slice %all_reduce_population_count3A_210 {offsets = [0], sizes = [1], strides = [1]} : vector<16xi32> to vector<1xi32>
          %squeeze3A_212 = vector.extract %slice3A_211[0] : i32 from vector<1xi32>
          %add3A_213 = arith.addi %add3A_190, %squeeze3A_212 : i32
          %get3A_214 = arith.index_cast %scan3A_58 : i32 to index
          %get3A_215 = arith.constant 48 : index
          %get3A_216 = tpu.vector_load %arg7[%get3A_214, %get3A_215] {strides = array<i32>} : memref<128x128xi32, #tpu.memory_space<vmem>>, vector<16xi32>,
          %get3A_217 = arith.index_cast %scan3A_58 : i32 to index
          %get3A_218 = arith.constant 48 : index
          %get3A_219 = tpu.vector_load %arg9[%get3A_217, %get3A_218] {strides = array<i32>} : memref<128x128xf32, #tpu.memory_space<vmem>>, vector<16xf32>,
          %sub3A_220 = vector.broadcast %add3A : i32 to vector<16xi32>
          %sub3A_221 = arith.subi %get3A_70, %sub3A_220 : vector<16xi32>
          %mul3A_222 = arith.constant 10000 : i32
          %mul3A_223 = vector.broadcast %mul3A_222 : i32 to vector<16xi32>
          %mul3A_224 = arith.muli %sub3A_221, %mul3A_223 : vector<16xi32>
          %add3A_225 = arith.addi %mul3A_224, %get3A_216 : vector<16xi32>
          %convert_element_type3A_226 = arith.extui %and3A_107 : vector<16xi1> to vector<16xi32>
          %broadcast_in_dim3A_227 = arith.constant true
          %broadcast_in_dim3A_228 = vector.broadcast %broadcast_in_dim3A_227 : i1 to vector<16xi1>
          %masked_cumsum3A_229 = tpu.scan <sum>, %convert_element_type3A_226 masked %broadcast_in_dim3A_228 : vector<16xi32>, vector<16xi1> -> vector<16xi32>
          %add3A_230 = vector.broadcast %add3A_213 : i32 to vector<16xi32>
          %add3A_231 = arith.addi %add3A_230, %masked_cumsum3A_229 : vector<16xi32>
          %sub3A_232 = arith.subi %add3A_231, %convert_element_type3A_226 : vector<16xi32>
          tpu.vector_store_idx %arg10[%sub3A_232], %add3A_225 masked %and3A_107 : memref<16512xi32, #tpu.memory_space<vmem>>[vector<16xi32>], vector<16xi32>, vector<16xi1>
          tpu.vector_store_idx %arg11[%sub3A_232], %get3A_219 masked %and3A_107 : memref<16512xf32, #tpu.memory_space<vmem>>[vector<16xi32>], vector<16xf32>, vector<16xi1>
          %all_reduce_population_count3A_233 = tpu.all_reduce %and3A_107 {dim = 0 : i64, kind = #tpu.reduction_kind<sum>} : vector<16xi1> -> vector<16xi32>
          %slice3A_234 = vector.extract_strided_slice %all_reduce_population_count3A_233 {offsets = [0], sizes = [1], strides = [1]} : vector<16xi32> to vector<1xi32>
          %squeeze3A_235 = vector.extract %slice3A_234[0] : i32 from vector<1xi32>
          %add3A_236 = arith.addi %add3A_213, %squeeze3A_235 : i32
          %get3A_237 = arith.index_cast %scan3A_58 : i32 to index
          %get3A_238 = arith.constant 64 : index
          %get3A_239 = tpu.vector_load %arg7[%get3A_237, %get3A_238] {strides = array<i32>} : memref<128x128xi32, #tpu.memory_space<vmem>>, vector<16xi32>,
          %get3A_240 = arith.index_cast %scan3A_58 : i32 to index
          %get3A_241 = arith.constant 64 : index
          %get3A_242 = tpu.vector_load %arg9[%get3A_240, %get3A_241] {strides = array<i32>} : memref<128x128xf32, #tpu.memory_space<vmem>>, vector<16xf32>,
          %sub3A_243 = vector.broadcast %add3A : i32 to vector<16xi32>
          %sub3A_244 = arith.subi %get3A_73, %sub3A_243 : vector<16xi32>
          %mul3A_245 = arith.constant 10000 : i32
          %mul3A_246 = vector.broadcast %mul3A_245 : i32 to vector<16xi32>
          %mul3A_247 = arith.muli %sub3A_244, %mul3A_246 : vector<16xi32>
          %add3A_248 = arith.addi %mul3A_247, %get3A_239 : vector<16xi32>
          %convert_element_type3A_249 = arith.extui %and3A_114 : vector<16xi1> to vector<16xi32>
          %broadcast_in_dim3A_250 = arith.constant true
          %broadcast_in_dim3A_251 = vector.broadcast %broadcast_in_dim3A_250 : i1 to vector<16xi1>
          %masked_cumsum3A_252 = tpu.scan <sum>, %convert_element_type3A_249 masked %broadcast_in_dim3A_251 : vector<16xi32>, vector<16xi1> -> vector<16xi32>
          %add3A_253 = vector.broadcast %add3A_236 : i32 to vector<16xi32>
          %add3A_254 = arith.addi %add3A_253, %masked_cumsum3A_252 : vector<16xi32>
          %sub3A_255 = arith.subi %add3A_254, %convert_element_type3A_249 : vector<16xi32>
          tpu.vector_store_idx %arg10[%sub3A_255], %add3A_248 masked %and3A_114 : memref<16512xi32, #tpu.memory_space<vmem>>[vector<16xi32>], vector<16xi32>, vector<16xi1>
          tpu.vector_store_idx %arg11[%sub3A_255], %get3A_242 masked %and3A_114 : memref<16512xf32, #tpu.memory_space<vmem>>[vector<16xi32>], vector<16xf32>, vector<16xi1>
          %all_reduce_population_count3A_256 = tpu.all_reduce %and3A_114 {dim = 0 : i64, kind = #tpu.reduction_kind<sum>} : vector<16xi1> -> vector<16xi32>
          %slice3A_257 = vector.extract_strided_slice %all_reduce_population_count3A_256 {offsets = [0], sizes = [1], strides = [1]} : vector<16xi32> to vector<1xi32>
          %squeeze3A_258 = vector.extract %slice3A_257[0] : i32 from vector<1xi32>
          %add3A_259 = arith.addi %add3A_236, %squeeze3A_258 : i32
          %get3A_260 = arith.index_cast %scan3A_58 : i32 to index
          %get3A_261 = arith.constant 80 : index
          %get3A_262 = tpu.vector_load %arg7[%get3A_260, %get3A_261] {strides = array<i32>} : memref<128x128xi32, #tpu.memory_space<vmem>>, vector<16xi32>,
          %get3A_263 = arith.index_cast %scan3A_58 : i32 to index
          %get3A_264 = arith.constant 80 : index
          %get3A_265 = tpu.vector_load %arg9[%get3A_263, %get3A_264] {strides = array<i32>} : memref<128x128xf32, #tpu.memory_space<vmem>>, vector<16xf32>,
          %sub3A_266 = vector.broadcast %add3A : i32 to vector<16xi32>
          %sub3A_267 = arith.subi %get3A_76, %sub3A_266 : vector<16xi32>
          %mul3A_268 = arith.constant 10000 : i32
          %mul3A_269 = vector.broadcast %mul3A_268 : i32 to vector<16xi32>
          %mul3A_270 = arith.muli %sub3A_267, %mul3A_269 : vector<16xi32>
          %add3A_271 = arith.addi %mul3A_270, %get3A_262 : vector<16xi32>
          %convert_element_type3A_272 = arith.extui %and3A_121 : vector<16xi1> to vector<16xi32>
          %broadcast_in_dim3A_273 = arith.constant true
          %broadcast_in_dim3A_274 = vector.broadcast %broadcast_in_dim3A_273 : i1 to vector<16xi1>
          %masked_cumsum3A_275 = tpu.scan <sum>, %convert_element_type3A_272 masked %broadcast_in_dim3A_274 : vector<16xi32>, vector<16xi1> -> vector<16xi32>
          %add3A_276 = vector.broadcast %add3A_259 : i32 to vector<16xi32>
          %add3A_277 = arith.addi %add3A_276, %masked_cumsum3A_275 : vector<16xi32>
          %sub3A_278 = arith.subi %add3A_277, %convert_element_type3A_272 : vector<16xi32>
          tpu.vector_store_idx %arg10[%sub3A_278], %add3A_271 masked %and3A_121 : memref<16512xi32, #tpu.memory_space<vmem>>[vector<16xi32>], vector<16xi32>, vector<16xi1>
          tpu.vector_store_idx %arg11[%sub3A_278], %get3A_265 masked %and3A_121 : memref<16512xf32, #tpu.memory_space<vmem>>[vector<16xi32>], vector<16xf32>, vector<16xi1>
          %all_reduce_population_count3A_279 = tpu.all_reduce %and3A_121 {dim = 0 : i64, kind = #tpu.reduction_kind<sum>} : vector<16xi1> -> vector<16xi32>
          %slice3A_280 = vector.extract_strided_slice %all_reduce_population_count3A_279 {offsets = [0], sizes = [1], strides = [1]} : vector<16xi32> to vector<1xi32>
          %squeeze3A_281 = vector.extract %slice3A_280[0] : i32 from vector<1xi32>
          %add3A_282 = arith.addi %add3A_259, %squeeze3A_281 : i32
          %get3A_283 = arith.index_cast %scan3A_58 : i32 to index
          %get3A_284 = arith.constant 96 : index
          %get3A_285 = tpu.vector_load %arg7[%get3A_283, %get3A_284] {strides = array<i32>} : memref<128x128xi32, #tpu.memory_space<vmem>>, vector<16xi32>,
          %get3A_286 = arith.index_cast %scan3A_58 : i32 to index
          %get3A_287 = arith.constant 96 : index
          %get3A_288 = tpu.vector_load %arg9[%get3A_286, %get3A_287] {strides = array<i32>} : memref<128x128xf32, #tpu.memory_space<vmem>>, vector<16xf32>,
          %sub3A_289 = vector.broadcast %add3A : i32 to vector<16xi32>
          %sub3A_290 = arith.subi %get3A_79, %sub3A_289 : vector<16xi32>
          %mul3A_291 = arith.constant 10000 : i32
          %mul3A_292 = vector.broadcast %mul3A_291 : i32 to vector<16xi32>
          %mul3A_293 = arith.muli %sub3A_290, %mul3A_292 : vector<16xi32>
          %add3A_294 = arith.addi %mul3A_293, %get3A_285 : vector<16xi32>
          %convert_element_type3A_295 = arith.extui %and3A_128 : vector<16xi1> to vector<16xi32>
          %broadcast_in_dim3A_296 = arith.constant true
          %broadcast_in_dim3A_297 = vector.broadcast %broadcast_in_dim3A_296 : i1 to vector<16xi1>
          %masked_cumsum3A_298 = tpu.scan <sum>, %convert_element_type3A_295 masked %broadcast_in_dim3A_297 : vector<16xi32>, vector<16xi1> -> vector<16xi32>
          %add3A_299 = vector.broadcast %add3A_282 : i32 to vector<16xi32>
          %add3A_300 = arith.addi %add3A_299, %masked_cumsum3A_298 : vector<16xi32>
          %sub3A_301 = arith.subi %add3A_300, %convert_element_type3A_295 : vector<16xi32>
          tpu.vector_store_idx %arg10[%sub3A_301], %add3A_294 masked %and3A_128 : memref<16512xi32, #tpu.memory_space<vmem>>[vector<16xi32>], vector<16xi32>, vector<16xi1>
          tpu.vector_store_idx %arg11[%sub3A_301], %get3A_288 masked %and3A_128 : memref<16512xf32, #tpu.memory_space<vmem>>[vector<16xi32>], vector<16xf32>, vector<16xi1>
          %all_reduce_population_count3A_302 = tpu.all_reduce %and3A_128 {dim = 0 : i64, kind = #tpu.reduction_kind<sum>} : vector<16xi1> -> vector<16xi32>
          %slice3A_303 = vector.extract_strided_slice %all_reduce_population_count3A_302 {offsets = [0], sizes = [1], strides = [1]} : vector<16xi32> to vector<1xi32>
          %squeeze3A_304 = vector.extract %slice3A_303[0] : i32 from vector<1xi32>
          %add3A_305 = arith.addi %add3A_282, %squeeze3A_304 : i32
          %get3A_306 = arith.index_cast %scan3A_58 : i32 to index
          %get3A_307 = arith.constant 112 : index
          %get3A_308 = tpu.vector_load %arg7[%get3A_306, %get3A_307] {strides = array<i32>} : memref<128x128xi32, #tpu.memory_space<vmem>>, vector<16xi32>,
          %get3A_309 = arith.index_cast %scan3A_58 : i32 to index
          %get3A_310 = arith.constant 112 : index
          %get3A_311 = tpu.vector_load %arg9[%get3A_309, %get3A_310] {strides = array<i32>} : memref<128x128xf32, #tpu.memory_space<vmem>>, vector<16xf32>,
          %sub3A_312 = vector.broadcast %add3A : i32 to vector<16xi32>
          %sub3A_313 = arith.subi %get3A_82, %sub3A_312 : vector<16xi32>
          %mul3A_314 = arith.constant 10000 : i32
          %mul3A_315 = vector.broadcast %mul3A_314 : i32 to vector<16xi32>
          %mul3A_316 = arith.muli %sub3A_313, %mul3A_315 : vector<16xi32>
          %add3A_317 = arith.addi %mul3A_316, %get3A_308 : vector<16xi32>
          %convert_element_type3A_318 = arith.extui %and3A_135 : vector<16xi1> to vector<16xi32>
          %broadcast_in_dim3A_319 = arith.constant true
          %broadcast_in_dim3A_320 = vector.broadcast %broadcast_in_dim3A_319 : i1 to vector<16xi1>
          %masked_cumsum3A_321 = tpu.scan <sum>, %convert_element_type3A_318 masked %broadcast_in_dim3A_320 : vector<16xi32>, vector<16xi1> -> vector<16xi32>
          %add3A_322 = vector.broadcast %add3A_305 : i32 to vector<16xi32>
          %add3A_323 = arith.addi %add3A_322, %masked_cumsum3A_321 : vector<16xi32>
          %sub3A_324 = arith.subi %add3A_323, %convert_element_type3A_318 : vector<16xi32>
          tpu.vector_store_idx %arg10[%sub3A_324], %add3A_317 masked %and3A_135 : memref<16512xi32, #tpu.memory_space<vmem>>[vector<16xi32>], vector<16xi32>, vector<16xi1>
          tpu.vector_store_idx %arg11[%sub3A_324], %get3A_311 masked %and3A_135 : memref<16512xf32, #tpu.memory_space<vmem>>[vector<16xi32>], vector<16xf32>, vector<16xi1>
          %all_reduce_population_count3A_325 = tpu.all_reduce %and3A_135 {dim = 0 : i64, kind = #tpu.reduction_kind<sum>} : vector<16xi1> -> vector<16xi32>
          %slice3A_326 = vector.extract_strided_slice %all_reduce_population_count3A_325 {offsets = [0], sizes = [1], strides = [1]} : vector<16xi32> to vector<1xi32>
          %squeeze3A_327 = vector.extract %slice3A_326[0] : i32 from vector<1xi32>
          %add3A_328 = arith.addi %add3A_305, %squeeze3A_327 : i32
          scf.yield %add3A_328 : i32
        } else {
          scf.yield %scan3A_59 : i32
        }
        scf.yield %cond3A_146 : i32
      }
      %scan3A_20 = arith.constant 128 : i32
      %add3A_21 = arith.constant 127 : i32
      %add3A_22 = arith.addi %scan3A_19, %add3A_21 : i32
      %shift_right_arithmetic3A = arith.constant 7 : i32
      %shift_right_arithmetic3A_23 = arith.shrsi %add3A_22, %shift_right_arithmetic3A : i32
      %scan3A_24 = arith.constant 0 : i32
      %scan3A_25 = arith.constant 0 : i32
      %scan3A_26 = arith.constant 8 : i32
      %scan3A_27 = arith.addi %scan3A_25, %scan3A_26 : i32
      %scan3A_28 = arith.constant 1 : i32
      scf.for %scan3A_58 = %scan3A_25 to %scan3A_27 step %scan3A_28  : i32 {
        %mul3A_59 = arith.constant 16 : i32
        %mul3A_60 = arith.muli %scan3A_58, %mul3A_59 : i32
        %add3A_61 = arith.addi %scan3A_19, %mul3A_60 : i32
        %swap3A = arith.index_cast %add3A_61 : i32 to index
        %swap3A_62 = tpu.vector_load %arg10[%swap3A] {strides = array<i32>} : memref<16512xi32, #tpu.memory_space<vmem>>, vector<16xi32>,
        tpu.vector_store %arg10[%swap3A], %broadcast_in_dim3A_1 {strides = array<i32>} : memref<16512xi32, #tpu.memory_space<vmem>>, vector<16xi32>,
      }
      %scan3A_29 = arith.constant 8 : i32
      %mul3A_30 = arith.constant 8 : i32
      %mul3A_31 = arith.muli %shift_right_arithmetic3A_23, %mul3A_30 : i32
      %while3A = arith.constant 0 : i32
      %while3A_32 = arith.constant 0 : i32
      %while3A_33 = arith.subi %mul3A_31, %while3A_32 : i32
      %while3A_34 = arith.addi %while3A_32, %while3A_33 : i32
      %while3A_35 = arith.constant 1 : i32
      %while3A_36 = arith.divsi %while3A_33, %while3A_35 : i32
      %while3A_37 = arith.muli %while3A_36, %while3A_35 : i32
      %while3A_38 = arith.addi %while3A_32, %while3A_37 : i32
      %while3A_39 = arith.constant 1 : i32
      scf.for %while3A_58 = %while3A_32 to %while3A_38 step %while3A_39  : i32 {
        %shift_right_arithmetic3A_59 = arith.constant 3 : i32
        %shift_right_arithmetic3A_60 = arith.shrsi %while3A_58, %shift_right_arithmetic3A_59 : i32
        %and3A = arith.constant 7 : i32
        %and3A_61 = arith.andi %while3A_58, %and3A : i32
        %mul3A_62 = arith.constant 16 : i32
        %mul3A_63 = arith.muli %while3A_58, %mul3A_62 : i32
        %get3A = arith.index_cast %mul3A_63 : i32 to index
        %get3A_64 = tpu.vector_load %arg10[%get3A] {strides = array<i32>} : memref<16512xi32, #tpu.memory_space<vmem>>, vector<16xi32>,
        %mul3A_65 = arith.constant 16 : i32
        %mul3A_66 = arith.muli %and3A_61, %mul3A_65 : i32
        %swap3A = arith.index_cast %shift_right_arithmetic3A_60 : i32 to index
        %swap3A_67 = arith.index_cast %mul3A_66 : i32 to index
        %swap3A_68 = tpu.vector_load %arg12[%swap3A, %swap3A_67] {strides = array<i32>} : memref<129x128xi32, #tpu.memory_space<vmem>>, vector<16xi32>,
        tpu.vector_store %arg12[%swap3A, %swap3A_67], %get3A_64 {strides = array<i32>} : memref<129x128xi32, #tpu.memory_space<vmem>>, vector<16xi32>,
        %mul3A_69 = arith.constant 16 : i32
        %mul3A_70 = arith.muli %while3A_58, %mul3A_69 : i32
        %get3A_71 = arith.index_cast %mul3A_70 : i32 to index
        %get3A_72 = tpu.vector_load %arg11[%get3A_71] {strides = array<i32>} : memref<16512xf32, #tpu.memory_space<vmem>>, vector<16xf32>,
        %mul3A_73 = arith.constant 16 : i32
        %mul3A_74 = arith.muli %and3A_61, %mul3A_73 : i32
        %swap3A_75 = arith.index_cast %shift_right_arithmetic3A_60 : i32 to index
        %swap3A_76 = arith.index_cast %mul3A_74 : i32 to index
        %swap3A_77 = tpu.vector_load %arg13[%swap3A_75, %swap3A_76] {strides = array<i32>} : memref<129x128xf32, #tpu.memory_space<vmem>>, vector<16xf32>,
        tpu.vector_store %arg13[%swap3A_75, %swap3A_76], %get3A_72 {strides = array<i32>} : memref<129x128xf32, #tpu.memory_space<vmem>>, vector<16xf32>,
      }
      %while3A_40 = arith.constant 1 : i32
      scf.for %while3A_58 = %while3A_38 to %while3A_34 step %while3A_40  : i32 {
        %shift_right_arithmetic3A_59 = arith.constant 3 : i32
        %shift_right_arithmetic3A_60 = arith.shrsi %while3A_58, %shift_right_arithmetic3A_59 : i32
        %and3A = arith.constant 7 : i32
        %and3A_61 = arith.andi %while3A_58, %and3A : i32
        %mul3A_62 = arith.constant 16 : i32
        %mul3A_63 = arith.muli %while3A_58, %mul3A_62 : i32
        %get3A = arith.index_cast %mul3A_63 : i32 to index
        %get3A_64 = tpu.vector_load %arg10[%get3A] {strides = array<i32>} : memref<16512xi32, #tpu.memory_space<vmem>>, vector<16xi32>,
        %mul3A_65 = arith.constant 16 : i32
        %mul3A_66 = arith.muli %and3A_61, %mul3A_65 : i32
        %swap3A = arith.index_cast %shift_right_arithmetic3A_60 : i32 to index
        %swap3A_67 = arith.index_cast %mul3A_66 : i32 to index
        %swap3A_68 = tpu.vector_load %arg12[%swap3A, %swap3A_67] {strides = array<i32>} : memref<129x128xi32, #tpu.memory_space<vmem>>, vector<16xi32>,
        tpu.vector_store %arg12[%swap3A, %swap3A_67], %get3A_64 {strides = array<i32>} : memref<129x128xi32, #tpu.memory_space<vmem>>, vector<16xi32>,
        %mul3A_69 = arith.constant 16 : i32
        %mul3A_70 = arith.muli %while3A_58, %mul3A_69 : i32
        %get3A_71 = arith.index_cast %mul3A_70 : i32 to index
        %get3A_72 = tpu.vector_load %arg11[%get3A_71] {strides = array<i32>} : memref<16512xf32, #tpu.memory_space<vmem>>, vector<16xf32>,
        %mul3A_73 = arith.constant 16 : i32
        %mul3A_74 = arith.muli %and3A_61, %mul3A_73 : i32
        %swap3A_75 = arith.index_cast %shift_right_arithmetic3A_60 : i32 to index
        %swap3A_76 = arith.index_cast %mul3A_74 : i32 to index
        %swap3A_77 = tpu.vector_load %arg13[%swap3A_75, %swap3A_76] {strides = array<i32>} : memref<129x128xf32, #tpu.memory_space<vmem>>, vector<16xf32>,
        tpu.vector_store %arg13[%swap3A_75, %swap3A_76], %get3A_72 {strides = array<i32>} : memref<129x128xf32, #tpu.memory_space<vmem>>, vector<16xf32>,
      }
      %while3A_41 = arith.constant 0 : i32
      %while3A_42 = arith.constant 0 : i32
      %while3A_43 = arith.subi %shift_right_arithmetic3A_23, %while3A_42 : i32
      %while3A_44 = arith.addi %while3A_42, %while3A_43 : i32
      %while3A_45 = arith.constant 1 : i32
      %while3A_46 = arith.divsi %while3A_43, %while3A_45 : i32
      %while3A_47 = arith.muli %while3A_46, %while3A_45 : i32
      %while3A_48 = arith.addi %while3A_42, %while3A_47 : i32
      %while3A_49 = arith.constant 1 : i32
      scf.for %while3A_58 = %while3A_42 to %while3A_48 step %while3A_49  : i32 {
        "tpu.region"() ({
          %run_scoped3A = tpu.sem_alloc : memref<!tpu.dma_semaphore, #tpu.memory_space<semaphore_mem>>
          %dma_start3A = arith.constant 0 : i32
          %dma_start3A_59 = tpu.memref_slice %arg13[%while3A_58, %dma_start3A] : memref<129x128xf32, #tpu.memory_space<vmem>> -> memref<1x128xf32, #tpu.memory_space<vmem>>
          %dma_start3A_60 = tpu.memref_squeeze %dma_start3A_59 : memref<1x128xf32, #tpu.memory_space<vmem>> -> memref<128xf32, #tpu.memory_space<vmem>>
          %dma_start3A_61 = arith.constant 0 : i32
          %dma_start3A_62 = tpu.memref_slice %arg12[%while3A_58, %dma_start3A_61] : memref<129x128xi32, #tpu.memory_space<vmem>> -> memref<1x128xi32, #tpu.memory_space<vmem>>
          %dma_start3A_63 = tpu.memref_squeeze %dma_start3A_62 : memref<1x128xi32, #tpu.memory_space<vmem>> -> memref<128xi32, #tpu.memory_space<vmem>>
          %dma_start3A_64 = arith.constant 0 : i32
          %dma_start3A_65 = tpu.memref_slice %arg14[%dma_start3A_64] : memref<250128xf32, #tpu.memory_space<vmem_shared>> -> memref<250128xf32, #tpu.memory_space<vmem_shared>>
          tpu.enqueue_indirect_dma source(%dma_start3A_60 : memref<128xf32, #tpu.memory_space<vmem>>) target(%dma_start3A_65 : memref<250128xf32, #tpu.memory_space<vmem_shared>>) offsets(%dma_start3A_63 : memref<128xi32, #tpu.memory_space<vmem>>) semaphore(%run_scoped3A : memref<!tpu.dma_semaphore, #tpu.memory_space<semaphore_mem>>)
          %dma_wait3A = arith.constant 0 : i32
          %dma_wait3A_66 = tpu.memref_slice %arg13[%while3A_58, %dma_wait3A] : memref<129x128xf32, #tpu.memory_space<vmem>> -> memref<1x128xf32, #tpu.memory_space<vmem>>
          %dma_wait3A_67 = tpu.memref_squeeze %dma_wait3A_66 : memref<1x128xf32, #tpu.memory_space<vmem>> -> memref<128xf32, #tpu.memory_space<vmem>>
          %dma_wait3A_68 = arith.constant 0 : i32
          %dma_wait3A_69 = tpu.memref_slice %arg12[%while3A_58, %dma_wait3A_68] : memref<129x128xi32, #tpu.memory_space<vmem>> -> memref<1x128xi32, #tpu.memory_space<vmem>>
          %dma_wait3A_70 = tpu.memref_squeeze %dma_wait3A_69 : memref<1x128xi32, #tpu.memory_space<vmem>> -> memref<128xi32, #tpu.memory_space<vmem>>
          %dma_wait3A_71 = arith.constant 0 : i32
          %dma_wait3A_72 = tpu.memref_slice %arg14[%dma_wait3A_71] : memref<250128xf32, #tpu.memory_space<vmem_shared>> -> memref<250128xf32, #tpu.memory_space<vmem_shared>>
          tpu.wait_indirect_dma semaphore(%run_scoped3A : memref<!tpu.dma_semaphore, #tpu.memory_space<semaphore_mem>>) src(%dma_wait3A_67 : memref<128xf32, #tpu.memory_space<vmem>>) dst(%dma_wait3A_72 : memref<250128xf32, #tpu.memory_space<vmem_shared>>)
          tpu.yield
        }) : () -> ()
      }
      %while3A_50 = arith.constant 1 : i32
      scf.for %while3A_58 = %while3A_48 to %while3A_44 step %while3A_50  : i32 {
        "tpu.region"() ({
          %run_scoped3A = tpu.sem_alloc : memref<!tpu.dma_semaphore, #tpu.memory_space<semaphore_mem>>
          %dma_start3A = arith.constant 0 : i32
          %dma_start3A_59 = tpu.memref_slice %arg13[%while3A_58, %dma_start3A] : memref<129x128xf32, #tpu.memory_space<vmem>> -> memref<1x128xf32, #tpu.memory_space<vmem>>
          %dma_start3A_60 = tpu.memref_squeeze %dma_start3A_59 : memref<1x128xf32, #tpu.memory_space<vmem>> -> memref<128xf32, #tpu.memory_space<vmem>>
          %dma_start3A_61 = arith.constant 0 : i32
          %dma_start3A_62 = tpu.memref_slice %arg12[%while3A_58, %dma_start3A_61] : memref<129x128xi32, #tpu.memory_space<vmem>> -> memref<1x128xi32, #tpu.memory_space<vmem>>
          %dma_start3A_63 = tpu.memref_squeeze %dma_start3A_62 : memref<1x128xi32, #tpu.memory_space<vmem>> -> memref<128xi32, #tpu.memory_space<vmem>>
          %dma_start3A_64 = arith.constant 0 : i32
          %dma_start3A_65 = tpu.memref_slice %arg14[%dma_start3A_64] : memref<250128xf32, #tpu.memory_space<vmem_shared>> -> memref<250128xf32, #tpu.memory_space<vmem_shared>>
          tpu.enqueue_indirect_dma source(%dma_start3A_60 : memref<128xf32, #tpu.memory_space<vmem>>) target(%dma_start3A_65 : memref<250128xf32, #tpu.memory_space<vmem_shared>>) offsets(%dma_start3A_63 : memref<128xi32, #tpu.memory_space<vmem>>) semaphore(%run_scoped3A : memref<!tpu.dma_semaphore, #tpu.memory_space<semaphore_mem>>)
          %dma_wait3A = arith.constant 0 : i32
          %dma_wait3A_66 = tpu.memref_slice %arg13[%while3A_58, %dma_wait3A] : memref<129x128xf32, #tpu.memory_space<vmem>> -> memref<1x128xf32, #tpu.memory_space<vmem>>
          %dma_wait3A_67 = tpu.memref_squeeze %dma_wait3A_66 : memref<1x128xf32, #tpu.memory_space<vmem>> -> memref<128xf32, #tpu.memory_space<vmem>>
          %dma_wait3A_68 = arith.constant 0 : i32
          %dma_wait3A_69 = tpu.memref_slice %arg12[%while3A_58, %dma_wait3A_68] : memref<129x128xi32, #tpu.memory_space<vmem>> -> memref<1x128xi32, #tpu.memory_space<vmem>>
          %dma_wait3A_70 = tpu.memref_squeeze %dma_wait3A_69 : memref<1x128xi32, #tpu.memory_space<vmem>> -> memref<128xi32, #tpu.memory_space<vmem>>
          %dma_wait3A_71 = arith.constant 0 : i32
          %dma_wait3A_72 = tpu.memref_slice %arg14[%dma_wait3A_71] : memref<250128xf32, #tpu.memory_space<vmem_shared>> -> memref<250128xf32, #tpu.memory_space<vmem_shared>>
          tpu.wait_indirect_dma semaphore(%run_scoped3A : memref<!tpu.dma_semaphore, #tpu.memory_space<semaphore_mem>>) src(%dma_wait3A_67 : memref<128xf32, #tpu.memory_space<vmem>>) dst(%dma_wait3A_72 : memref<250128xf32, #tpu.memory_space<vmem_shared>>)
          tpu.yield
        }) : () -> ()
      }
      %barrier3A_51 = arith.constant 0 : index
      tpu.barrier barrier_id(%barrier3A_51)
      %eq3A_52 = arith.constant 0 : i32
      %eq3A_53 = arith.cmpi eq, %arg1, %eq3A_52 : i32
      %convert_element_type3A_54 = arith.extui %eq3A_53 : i1 to i32
      %cond3A_55 = arith.constant 0 : i32
      %cond3A_56 = arith.cmpi ne, %convert_element_type3A_54, %cond3A_55 : i32
      scf.if %cond3A_56 {
        %mul3A_58 = arith.constant 10000 : i32
        %mul3A_59 = arith.muli %add3A, %mul3A_58 : i32
        "tpu.region"() ({
          %run_scoped3A = tpu.sem_alloc : memref<!tpu.dma_semaphore, #tpu.memory_space<semaphore_mem>>
          %dma_start3A = tpu.memref_slice %arg6[%mul3A_59] : memref<50000000xf32, #tpu.memory_space<hbm>> -> memref<250000xf32, #tpu.memory_space<hbm>>
          %dma_start3A_60 = arith.constant 0 : i32
          %dma_start3A_61 = tpu.memref_slice %arg14[%dma_start3A_60] : memref<250128xf32, #tpu.memory_space<vmem_shared>> -> memref<250000xf32, #tpu.memory_space<vmem_shared>>
          tpu.enqueue_dma source(%dma_start3A_61 : memref<250000xf32, #tpu.memory_space<vmem_shared>>) target(%dma_start3A : memref<250000xf32, #tpu.memory_space<hbm>>) target_semaphore(%run_scoped3A : memref<!tpu.dma_semaphore, #tpu.memory_space<semaphore_mem>>)
          %dma_wait3A = tpu.memref_slice %arg6[%mul3A_59] : memref<50000000xf32, #tpu.memory_space<hbm>> -> memref<250000xf32, #tpu.memory_space<hbm>>
          %dma_wait3A_62 = arith.constant 0 : i32
          %dma_wait3A_63 = tpu.memref_slice %arg14[%dma_wait3A_62] : memref<250128xf32, #tpu.memory_space<vmem_shared>> -> memref<250000xf32, #tpu.memory_space<vmem_shared>>
          tpu.wait_dma2 semaphore(%run_scoped3A : memref<!tpu.dma_semaphore, #tpu.memory_space<semaphore_mem>>) src(%dma_wait3A_63 : memref<250000xf32, #tpu.memory_space<vmem_shared>>) dst(%dma_wait3A : memref<250000xf32, #tpu.memory_space<hbm>>)
          tpu.yield
        }) : () -> ()
      } else {
      }
      %barrier3A_57 = arith.constant 0 : index
      tpu.barrier barrier_id(%barrier3A_57)
    }
    %scan3A_6 = arith.constant 100 : i32
    return
  }
}

#map = affine_map<(d0, d1) -> (0, 0)>
module attributes {stable_mosaic.version = 14 : i64} {
  func.func @gather_kernel(%arg0: i32, %arg1: i32, %arg2: memref<15000x64xf32, #tpu.memory_space<hbm>>, %arg3: memref<4096x128xi32, #tpu.memory_space<hbm>>, %arg4: memref<524288x64xf32, #tpu.memory_space<hbm>>, %arg5: memref<128x128xi32, #tpu.memory_space<vmem>>, %arg6: memref<1024x64xf32, #tpu.memory_space<vmem>>, %arg7: memref<!tpu.dma_semaphore, #tpu.memory_space<semaphore_mem>>, %arg8: memref<!tpu.dma_semaphore, #tpu.memory_space<semaphore_mem>>) attributes {dimension_semantics = [#tpu.dimension_semantics<core_parallel>, #tpu.dimension_semantics<subcore_parallel>], iteration_bounds = array<i64: 2, 16>, scalar_prefetch = 0 : i64, scratch_operands = 4 : i64, tpu.core_type = #tpu.core_type<sc_vector_subcore>, window_params = [{transform_indices = #map}, {transform_indices = #map}, {transform_indices = #map}]} {
    %mul3A = arith.constant 2 : i32
    %mul3A_0 = arith.muli %arg1, %mul3A : i32
    %add3A = arith.addi %mul3A_0, %arg0 : i32
    %mul3A_1 = arith.constant 128 : i32
    %mul3A_2 = arith.muli %add3A, %mul3A_1 : i32
    "tpu.region"() ({
      %run_scoped3A = tpu.sem_alloc : memref<!tpu.dma_semaphore, #tpu.memory_space<semaphore_mem>>
      %dma_start3A = arith.constant 0 : i32
      %dma_start3A_13 = tpu.memref_slice %arg3[%mul3A_2, %dma_start3A] : memref<4096x128xi32, #tpu.memory_space<hbm>> -> memref<128x128xi32, #tpu.memory_space<hbm>>
      %dma_start3A_14 = arith.constant 0 : i32
      %dma_start3A_15 = tpu.memref_slice %arg3[%mul3A_2, %dma_start3A_14] : memref<4096x128xi32, #tpu.memory_space<hbm>> -> memref<128x128xi32, #tpu.memory_space<hbm>>
      tpu.enqueue_dma source(%dma_start3A_15 : memref<128x128xi32, #tpu.memory_space<hbm>>) target(%arg5 : memref<128x128xi32, #tpu.memory_space<vmem>>) target_semaphore(%run_scoped3A : memref<!tpu.dma_semaphore, #tpu.memory_space<semaphore_mem>>)
      %dma_wait3A_16 = arith.constant 0 : i32
      %dma_wait3A_17 = tpu.memref_slice %arg3[%mul3A_2, %dma_wait3A_16] : memref<4096x128xi32, #tpu.memory_space<hbm>> -> memref<128x128xi32, #tpu.memory_space<hbm>>
      %dma_wait3A_18 = arith.constant 0 : i32
      %dma_wait3A_19 = tpu.memref_slice %arg3[%mul3A_2, %dma_wait3A_18] : memref<4096x128xi32, #tpu.memory_space<hbm>> -> memref<128x128xi32, #tpu.memory_space<hbm>>
      tpu.wait_dma2 semaphore(%run_scoped3A : memref<!tpu.dma_semaphore, #tpu.memory_space<semaphore_mem>>) src(%dma_wait3A_19 : memref<128x128xi32, #tpu.memory_space<hbm>>) dst(%arg5 : memref<128x128xi32, #tpu.memory_space<vmem>>)
      tpu.yield
    }) : () -> ()
    %scan3A = arith.constant 0 : i32
    %scan3A_3 = arith.constant 0 : i32
    %scan3A_4 = arith.constant 16 : i32
    %scan3A_5 = arith.addi %scan3A_3, %scan3A_4 : i32
    %scan3A_6 = arith.constant 1 : i32
    scf.for %scan3A_13 = %scan3A_3 to %scan3A_5 step %scan3A_6  : i32 {
      %gt3A = arith.constant 0 : i32
      %gt3A_14 = arith.cmpi sgt, %scan3A_13, %gt3A : i32
      %convert_element_type3A = arith.extui %gt3A_14 : i1 to i32
      %cond3A = arith.constant 0 : i32
      %cond3A_15 = arith.cmpi ne, %convert_element_type3A, %cond3A : i32
      scf.if %cond3A_15 {
        %dma_wait3A_134 = arith.constant 0 : i32
        %dma_wait3A_135 = arith.constant 0 : i32
        %dma_wait3A_136 = tpu.memref_slice %arg4[%dma_wait3A_134, %dma_wait3A_135] : memref<524288x64xf32, #tpu.memory_space<hbm>> -> memref<1024x64xf32, #tpu.memory_space<hbm>>
        %dma_wait3A_137 = arith.constant 0 : i32
        %dma_wait3A_138 = arith.constant 0 : i32
        %dma_wait3A_139 = tpu.memref_slice %arg4[%dma_wait3A_137, %dma_wait3A_138] : memref<524288x64xf32, #tpu.memory_space<hbm>> -> memref<1024x64xf32, #tpu.memory_space<hbm>>
        tpu.wait_dma2 semaphore(%arg8 : memref<!tpu.dma_semaphore, #tpu.memory_space<semaphore_mem>>) src(%arg6 : memref<1024x64xf32, #tpu.memory_space<vmem>>) dst(%dma_wait3A_139 : memref<1024x64xf32, #tpu.memory_space<hbm>>)
      } else {
      }
      %mul3A_16 = arith.constant 8 : i32
      %mul3A_17 = arith.muli %scan3A_13, %mul3A_16 : i32
      %add3A_18 = arith.constant 0 : i32
      %add3A_19 = arith.addi %mul3A_17, %add3A_18 : i32
      %dma_start3A = arith.constant 0 : i32
      %dma_start3A_20 = arith.constant 0 : i32
      %dma_start3A_21 = tpu.memref_slice %arg6[%dma_start3A, %dma_start3A_20] : memref<1024x64xf32, #tpu.memory_space<vmem>> -> memref<128x64xf32, #tpu.memory_space<vmem>>
      %dma_start3A_22 = arith.constant 0 : i32
      %dma_start3A_23 = tpu.memref_slice %arg5[%add3A_19, %dma_start3A_22] : memref<128x128xi32, #tpu.memory_space<vmem>> -> memref<1x128xi32, #tpu.memory_space<vmem>>
      %dma_start3A_24 = tpu.memref_squeeze %dma_start3A_23 : memref<1x128xi32, #tpu.memory_space<vmem>> -> memref<128xi32, #tpu.memory_space<vmem>>
      %dma_start3A_25 = arith.constant 0 : i32
      %dma_start3A_26 = arith.constant 0 : i32
      %dma_start3A_27 = tpu.memref_slice %arg2[%dma_start3A_25, %dma_start3A_26] : memref<15000x64xf32, #tpu.memory_space<hbm>> -> memref<15000x64xf32, #tpu.memory_space<hbm>>
      tpu.enqueue_indirect_dma source(%dma_start3A_27 : memref<15000x64xf32, #tpu.memory_space<hbm>>) target(%dma_start3A_21 : memref<128x64xf32, #tpu.memory_space<vmem>>) offsets(%dma_start3A_24 : memref<128xi32, #tpu.memory_space<vmem>>) semaphore(%arg7 : memref<!tpu.dma_semaphore, #tpu.memory_space<semaphore_mem>>)
      %mul3A_28 = arith.constant 8 : i32
      %mul3A_29 = arith.muli %scan3A_13, %mul3A_28 : i32
      %add3A_30 = arith.constant 1 : i32
      %add3A_31 = arith.addi %mul3A_29, %add3A_30 : i32
      %dma_start3A_32 = arith.constant 128 : i32
      %dma_start3A_33 = arith.constant 0 : i32
      %dma_start3A_34 = tpu.memref_slice %arg6[%dma_start3A_32, %dma_start3A_33] : memref<1024x64xf32, #tpu.memory_space<vmem>> -> memref<128x64xf32, #tpu.memory_space<vmem>>
      %dma_start3A_35 = arith.constant 0 : i32
      %dma_start3A_36 = tpu.memref_slice %arg5[%add3A_31, %dma_start3A_35] : memref<128x128xi32, #tpu.memory_space<vmem>> -> memref<1x128xi32, #tpu.memory_space<vmem>>
      %dma_start3A_37 = tpu.memref_squeeze %dma_start3A_36 : memref<1x128xi32, #tpu.memory_space<vmem>> -> memref<128xi32, #tpu.memory_space<vmem>>
      %dma_start3A_38 = arith.constant 0 : i32
      %dma_start3A_39 = arith.constant 0 : i32
      %dma_start3A_40 = tpu.memref_slice %arg2[%dma_start3A_38, %dma_start3A_39] : memref<15000x64xf32, #tpu.memory_space<hbm>> -> memref<15000x64xf32, #tpu.memory_space<hbm>>
      tpu.enqueue_indirect_dma source(%dma_start3A_40 : memref<15000x64xf32, #tpu.memory_space<hbm>>) target(%dma_start3A_34 : memref<128x64xf32, #tpu.memory_space<vmem>>) offsets(%dma_start3A_37 : memref<128xi32, #tpu.memory_space<vmem>>) semaphore(%arg7 : memref<!tpu.dma_semaphore, #tpu.memory_space<semaphore_mem>>)
      %mul3A_41 = arith.constant 8 : i32
      %mul3A_42 = arith.muli %scan3A_13, %mul3A_41 : i32
      %add3A_43 = arith.constant 2 : i32
      %add3A_44 = arith.addi %mul3A_42, %add3A_43 : i32
      %dma_start3A_45 = arith.constant 256 : i32
      %dma_start3A_46 = arith.constant 0 : i32
      %dma_start3A_47 = tpu.memref_slice %arg6[%dma_start3A_45, %dma_start3A_46] : memref<1024x64xf32, #tpu.memory_space<vmem>> -> memref<128x64xf32, #tpu.memory_space<vmem>>
      %dma_start3A_48 = arith.constant 0 : i32
      %dma_start3A_49 = tpu.memref_slice %arg5[%add3A_44, %dma_start3A_48] : memref<128x128xi32, #tpu.memory_space<vmem>> -> memref<1x128xi32, #tpu.memory_space<vmem>>
      %dma_start3A_50 = tpu.memref_squeeze %dma_start3A_49 : memref<1x128xi32, #tpu.memory_space<vmem>> -> memref<128xi32, #tpu.memory_space<vmem>>
      %dma_start3A_51 = arith.constant 0 : i32
      %dma_start3A_52 = arith.constant 0 : i32
      %dma_start3A_53 = tpu.memref_slice %arg2[%dma_start3A_51, %dma_start3A_52] : memref<15000x64xf32, #tpu.memory_space<hbm>> -> memref<15000x64xf32, #tpu.memory_space<hbm>>
      tpu.enqueue_indirect_dma source(%dma_start3A_53 : memref<15000x64xf32, #tpu.memory_space<hbm>>) target(%dma_start3A_47 : memref<128x64xf32, #tpu.memory_space<vmem>>) offsets(%dma_start3A_50 : memref<128xi32, #tpu.memory_space<vmem>>) semaphore(%arg7 : memref<!tpu.dma_semaphore, #tpu.memory_space<semaphore_mem>>)
      %mul3A_54 = arith.constant 8 : i32
      %mul3A_55 = arith.muli %scan3A_13, %mul3A_54 : i32
      %add3A_56 = arith.constant 3 : i32
      %add3A_57 = arith.addi %mul3A_55, %add3A_56 : i32
      %dma_start3A_58 = arith.constant 384 : i32
      %dma_start3A_59 = arith.constant 0 : i32
      %dma_start3A_60 = tpu.memref_slice %arg6[%dma_start3A_58, %dma_start3A_59] : memref<1024x64xf32, #tpu.memory_space<vmem>> -> memref<128x64xf32, #tpu.memory_space<vmem>>
      %dma_start3A_61 = arith.constant 0 : i32
      %dma_start3A_62 = tpu.memref_slice %arg5[%add3A_57, %dma_start3A_61] : memref<128x128xi32, #tpu.memory_space<vmem>> -> memref<1x128xi32, #tpu.memory_space<vmem>>
      %dma_start3A_63 = tpu.memref_squeeze %dma_start3A_62 : memref<1x128xi32, #tpu.memory_space<vmem>> -> memref<128xi32, #tpu.memory_space<vmem>>
      %dma_start3A_64 = arith.constant 0 : i32
      %dma_start3A_65 = arith.constant 0 : i32
      %dma_start3A_66 = tpu.memref_slice %arg2[%dma_start3A_64, %dma_start3A_65] : memref<15000x64xf32, #tpu.memory_space<hbm>> -> memref<15000x64xf32, #tpu.memory_space<hbm>>
      tpu.enqueue_indirect_dma source(%dma_start3A_66 : memref<15000x64xf32, #tpu.memory_space<hbm>>) target(%dma_start3A_60 : memref<128x64xf32, #tpu.memory_space<vmem>>) offsets(%dma_start3A_63 : memref<128xi32, #tpu.memory_space<vmem>>) semaphore(%arg7 : memref<!tpu.dma_semaphore, #tpu.memory_space<semaphore_mem>>)
      %mul3A_67 = arith.constant 8 : i32
      %mul3A_68 = arith.muli %scan3A_13, %mul3A_67 : i32
      %add3A_69 = arith.constant 4 : i32
      %add3A_70 = arith.addi %mul3A_68, %add3A_69 : i32
      %dma_start3A_71 = arith.constant 512 : i32
      %dma_start3A_72 = arith.constant 0 : i32
      %dma_start3A_73 = tpu.memref_slice %arg6[%dma_start3A_71, %dma_start3A_72] : memref<1024x64xf32, #tpu.memory_space<vmem>> -> memref<128x64xf32, #tpu.memory_space<vmem>>
      %dma_start3A_74 = arith.constant 0 : i32
      %dma_start3A_75 = tpu.memref_slice %arg5[%add3A_70, %dma_start3A_74] : memref<128x128xi32, #tpu.memory_space<vmem>> -> memref<1x128xi32, #tpu.memory_space<vmem>>
      %dma_start3A_76 = tpu.memref_squeeze %dma_start3A_75 : memref<1x128xi32, #tpu.memory_space<vmem>> -> memref<128xi32, #tpu.memory_space<vmem>>
      %dma_start3A_77 = arith.constant 0 : i32
      %dma_start3A_78 = arith.constant 0 : i32
      %dma_start3A_79 = tpu.memref_slice %arg2[%dma_start3A_77, %dma_start3A_78] : memref<15000x64xf32, #tpu.memory_space<hbm>> -> memref<15000x64xf32, #tpu.memory_space<hbm>>
      tpu.enqueue_indirect_dma source(%dma_start3A_79 : memref<15000x64xf32, #tpu.memory_space<hbm>>) target(%dma_start3A_73 : memref<128x64xf32, #tpu.memory_space<vmem>>) offsets(%dma_start3A_76 : memref<128xi32, #tpu.memory_space<vmem>>) semaphore(%arg7 : memref<!tpu.dma_semaphore, #tpu.memory_space<semaphore_mem>>)
      %mul3A_80 = arith.constant 8 : i32
      %mul3A_81 = arith.muli %scan3A_13, %mul3A_80 : i32
      %add3A_82 = arith.constant 5 : i32
      %add3A_83 = arith.addi %mul3A_81, %add3A_82 : i32
      %dma_start3A_84 = arith.constant 640 : i32
      %dma_start3A_85 = arith.constant 0 : i32
      %dma_start3A_86 = tpu.memref_slice %arg6[%dma_start3A_84, %dma_start3A_85] : memref<1024x64xf32, #tpu.memory_space<vmem>> -> memref<128x64xf32, #tpu.memory_space<vmem>>
      %dma_start3A_87 = arith.constant 0 : i32
      %dma_start3A_88 = tpu.memref_slice %arg5[%add3A_83, %dma_start3A_87] : memref<128x128xi32, #tpu.memory_space<vmem>> -> memref<1x128xi32, #tpu.memory_space<vmem>>
      %dma_start3A_89 = tpu.memref_squeeze %dma_start3A_88 : memref<1x128xi32, #tpu.memory_space<vmem>> -> memref<128xi32, #tpu.memory_space<vmem>>
      %dma_start3A_90 = arith.constant 0 : i32
      %dma_start3A_91 = arith.constant 0 : i32
      %dma_start3A_92 = tpu.memref_slice %arg2[%dma_start3A_90, %dma_start3A_91] : memref<15000x64xf32, #tpu.memory_space<hbm>> -> memref<15000x64xf32, #tpu.memory_space<hbm>>
      tpu.enqueue_indirect_dma source(%dma_start3A_92 : memref<15000x64xf32, #tpu.memory_space<hbm>>) target(%dma_start3A_86 : memref<128x64xf32, #tpu.memory_space<vmem>>) offsets(%dma_start3A_89 : memref<128xi32, #tpu.memory_space<vmem>>) semaphore(%arg7 : memref<!tpu.dma_semaphore, #tpu.memory_space<semaphore_mem>>)
      %mul3A_93 = arith.constant 8 : i32
      %mul3A_94 = arith.muli %scan3A_13, %mul3A_93 : i32
      %add3A_95 = arith.constant 6 : i32
      %add3A_96 = arith.addi %mul3A_94, %add3A_95 : i32
      %dma_start3A_97 = arith.constant 768 : i32
      %dma_start3A_98 = arith.constant 0 : i32
      %dma_start3A_99 = tpu.memref_slice %arg6[%dma_start3A_97, %dma_start3A_98] : memref<1024x64xf32, #tpu.memory_space<vmem>> -> memref<128x64xf32, #tpu.memory_space<vmem>>
      %dma_start3A_100 = arith.constant 0 : i32
      %dma_start3A_101 = tpu.memref_slice %arg5[%add3A_96, %dma_start3A_100] : memref<128x128xi32, #tpu.memory_space<vmem>> -> memref<1x128xi32, #tpu.memory_space<vmem>>
      %dma_start3A_102 = tpu.memref_squeeze %dma_start3A_101 : memref<1x128xi32, #tpu.memory_space<vmem>> -> memref<128xi32, #tpu.memory_space<vmem>>
      %dma_start3A_103 = arith.constant 0 : i32
      %dma_start3A_104 = arith.constant 0 : i32
      %dma_start3A_105 = tpu.memref_slice %arg2[%dma_start3A_103, %dma_start3A_104] : memref<15000x64xf32, #tpu.memory_space<hbm>> -> memref<15000x64xf32, #tpu.memory_space<hbm>>
      tpu.enqueue_indirect_dma source(%dma_start3A_105 : memref<15000x64xf32, #tpu.memory_space<hbm>>) target(%dma_start3A_99 : memref<128x64xf32, #tpu.memory_space<vmem>>) offsets(%dma_start3A_102 : memref<128xi32, #tpu.memory_space<vmem>>) semaphore(%arg7 : memref<!tpu.dma_semaphore, #tpu.memory_space<semaphore_mem>>)
      %mul3A_106 = arith.constant 8 : i32
      %mul3A_107 = arith.muli %scan3A_13, %mul3A_106 : i32
      %add3A_108 = arith.constant 7 : i32
      %add3A_109 = arith.addi %mul3A_107, %add3A_108 : i32
      %dma_start3A_110 = arith.constant 896 : i32
      %dma_start3A_111 = arith.constant 0 : i32
      %dma_start3A_112 = tpu.memref_slice %arg6[%dma_start3A_110, %dma_start3A_111] : memref<1024x64xf32, #tpu.memory_space<vmem>> -> memref<128x64xf32, #tpu.memory_space<vmem>>
      %dma_start3A_113 = arith.constant 0 : i32
      %dma_start3A_114 = tpu.memref_slice %arg5[%add3A_109, %dma_start3A_113] : memref<128x128xi32, #tpu.memory_space<vmem>> -> memref<1x128xi32, #tpu.memory_space<vmem>>
      %dma_start3A_115 = tpu.memref_squeeze %dma_start3A_114 : memref<1x128xi32, #tpu.memory_space<vmem>> -> memref<128xi32, #tpu.memory_space<vmem>>
      %dma_start3A_116 = arith.constant 0 : i32
      %dma_start3A_117 = arith.constant 0 : i32
      %dma_start3A_118 = tpu.memref_slice %arg2[%dma_start3A_116, %dma_start3A_117] : memref<15000x64xf32, #tpu.memory_space<hbm>> -> memref<15000x64xf32, #tpu.memory_space<hbm>>
      tpu.enqueue_indirect_dma source(%dma_start3A_118 : memref<15000x64xf32, #tpu.memory_space<hbm>>) target(%dma_start3A_112 : memref<128x64xf32, #tpu.memory_space<vmem>>) offsets(%dma_start3A_115 : memref<128xi32, #tpu.memory_space<vmem>>) semaphore(%arg7 : memref<!tpu.dma_semaphore, #tpu.memory_space<semaphore_mem>>)
      %dma_wait3A_119 = arith.constant 0 : i32
      %dma_wait3A_120 = arith.constant 0 : i32
      %dma_wait3A_121 = tpu.memref_slice %arg2[%dma_wait3A_119, %dma_wait3A_120] : memref<15000x64xf32, #tpu.memory_space<hbm>> -> memref<1024x64xf32, #tpu.memory_space<hbm>>
      %dma_wait3A_122 = arith.constant 0 : i32
      %dma_wait3A_123 = arith.constant 0 : i32
      %dma_wait3A_124 = tpu.memref_slice %arg2[%dma_wait3A_122, %dma_wait3A_123] : memref<15000x64xf32, #tpu.memory_space<hbm>> -> memref<1024x64xf32, #tpu.memory_space<hbm>>
      tpu.wait_dma2 semaphore(%arg7 : memref<!tpu.dma_semaphore, #tpu.memory_space<semaphore_mem>>) src(%dma_wait3A_124 : memref<1024x64xf32, #tpu.memory_space<hbm>>) dst(%arg6 : memref<1024x64xf32, #tpu.memory_space<vmem>>)
      %mul3A_125 = arith.constant 8 : i32
      %mul3A_126 = arith.muli %scan3A_13, %mul3A_125 : i32
      %add3A_127 = arith.addi %mul3A_2, %mul3A_126 : i32
      %mul3A_128 = arith.constant 128 : i32
      %mul3A_129 = arith.muli %add3A_127, %mul3A_128 : i32
      %dma_start3A_130 = arith.constant 0 : i32
      %dma_start3A_131 = tpu.memref_slice %arg4[%mul3A_129, %dma_start3A_130] : memref<524288x64xf32, #tpu.memory_space<hbm>> -> memref<1024x64xf32, #tpu.memory_space<hbm>>
      %dma_start3A_132 = arith.constant 0 : i32
      %dma_start3A_133 = tpu.memref_slice %arg4[%mul3A_129, %dma_start3A_132] : memref<524288x64xf32, #tpu.memory_space<hbm>> -> memref<1024x64xf32, #tpu.memory_space<hbm>>
      tpu.enqueue_dma source(%arg6 : memref<1024x64xf32, #tpu.memory_space<vmem>>) target(%dma_start3A_133 : memref<1024x64xf32, #tpu.memory_space<hbm>>) target_semaphore(%arg8 : memref<!tpu.dma_semaphore, #tpu.memory_space<semaphore_mem>>)
    }
    %scan3A_7 = arith.constant 16 : i32
    %dma_wait3A = arith.constant 0 : i32
    %dma_wait3A_8 = arith.constant 0 : i32
    %dma_wait3A_9 = tpu.memref_slice %arg4[%dma_wait3A, %dma_wait3A_8] : memref<524288x64xf32, #tpu.memory_space<hbm>> -> memref<1024x64xf32, #tpu.memory_space<hbm>>
    %dma_wait3A_10 = arith.constant 0 : i32
    %dma_wait3A_11 = arith.constant 0 : i32
    %dma_wait3A_12 = tpu.memref_slice %arg4[%dma_wait3A_10, %dma_wait3A_11] : memref<524288x64xf32, #tpu.memory_space<hbm>> -> memref<1024x64xf32, #tpu.memory_space<hbm>>
    tpu.wait_dma2 semaphore(%arg8 : memref<!tpu.dma_semaphore, #tpu.memory_space<semaphore_mem>>) src(%arg6 : memref<1024x64xf32, #tpu.memory_space<vmem>>) dst(%dma_wait3A_12 : memref<1024x64xf32, #tpu.memory_space<hbm>>)
    return
  }
}

module attributes {stable_mosaic.version = 14 : i64} {
  func.func @mlp_body(%arg0: i32, %arg1: memref<2048x128xf32, #tpu.memory_space<vmem>>, %arg2: memref<64x128xf32, #tpu.memory_space<vmem>>, %arg3: memref<1x64xf32, #tpu.memory_space<vmem>>, %arg4: memref<32x64xf32, #tpu.memory_space<vmem>>, %arg5: memref<1x32xf32, #tpu.memory_space<vmem>>, %arg6: memref<1x32xf32, #tpu.memory_space<vmem>>, %arg7: memref<1x1xf32, #tpu.memory_space<smem>>, %arg8: memref<16x128xf32, #tpu.memory_space<vmem>>) attributes {dimension_semantics = [#tpu.dimension_semantics<arbitrary>], iteration_bounds = array<i64: 128>, scalar_prefetch = 0 : i64, scratch_operands = 0 : i64, tpu.core_type = #tpu.core_type<tc>, window_params = [{transform_indices = @transform_0, window_bounds = array<i64: 2048, 128>}, {pipeline_mode = #tpu.pipeline_mode<synchronous>, transform_indices = @transform_1, window_bounds = array<i64: 64, 128>}, {pipeline_mode = #tpu.pipeline_mode<synchronous>, transform_indices = @transform_2, window_bounds = array<i64: 1, 64>}, {pipeline_mode = #tpu.pipeline_mode<synchronous>, transform_indices = @transform_3, window_bounds = array<i64: 32, 64>}, {pipeline_mode = #tpu.pipeline_mode<synchronous>, transform_indices = @transform_4, window_bounds = array<i64: 1, 32>}, {pipeline_mode = #tpu.pipeline_mode<synchronous>, transform_indices = @transform_5, window_bounds = array<i64: 1, 32>}, {transform_indices = @transform_6, window_bounds = array<i64: 1, 1>}, {transform_indices = @transform_7, window_bounds = array<i64: 16, 128>}]} {
    %get3A = arith.constant 0 : index
    %get3A_0 = arith.constant 0 : index
    %get3A_1 = vector.load %arg1[%get3A, %get3A_0] : memref<2048x128xf32, #tpu.memory_space<vmem>>, vector<2048x128xf32>
    %get3A_2 = arith.constant 0 : index
    %get3A_3 = arith.constant 0 : index
    %get3A_4 = vector.load %arg2[%get3A_2, %get3A_3] : memref<64x128xf32, #tpu.memory_space<vmem>>, vector<64x128xf32>
    %dot_general3A = arith.constant dense<0.000000e+00> : vector<2048x64xf32>
    %dot_general3A_5 = tpu.matmul %get3A_1, %get3A_4, %dot_general3A {dimension_numbers = #tpu.dot_dimension_numbers<[1], [1], [0], [0], [0, 0, 1, 0], [], []>, transpose_lhs_hint = false} : vector<2048x128xf32>, vector<64x128xf32>, vector<2048x64xf32> -> vector<2048x64xf32>
    %get3A_6 = arith.constant 0 : index
    %get3A_7 = arith.constant 0 : index
    %get3A_8 = vector.load %arg3[%get3A_6, %get3A_7] : memref<1x64xf32, #tpu.memory_space<vmem>>, vector<1x64xf32>
    %add3A = vector.broadcast %get3A_8 : vector<1x64xf32> to vector<2048x64xf32>
    %add3A_9 = arith.addf %dot_general3A_5, %add3A : vector<2048x64xf32>
    %gt3A = arith.constant 0.000000e+00 : f32
    %gt3A_10 = vector.broadcast %gt3A : f32 to vector<2048x64xf32>
    %gt3A_11 = arith.cmpf ogt, %add3A_9, %gt3A_10 : vector<2048x64xf32>
    %mul3A = arith.constant 0.00999999977 : f32
    %mul3A_12 = vector.broadcast %mul3A : f32 to vector<2048x64xf32>
    %mul3A_13 = arith.mulf %mul3A_12, %add3A_9 : vector<2048x64xf32>
    %select_n3A = arith.select %gt3A_11, %add3A_9, %mul3A_13 : vector<2048x64xi1>, vector<2048x64xf32>
    %get3A_14 = arith.constant 0 : index
    %get3A_15 = arith.constant 0 : index
    %get3A_16 = vector.load %arg4[%get3A_14, %get3A_15] : memref<32x64xf32, #tpu.memory_space<vmem>>, vector<32x64xf32>
    %dot_general3A_17 = arith.constant dense<0.000000e+00> : vector<2048x32xf32>
    %dot_general3A_18 = tpu.matmul %select_n3A, %get3A_16, %dot_general3A_17 {dimension_numbers = #tpu.dot_dimension_numbers<[1], [1], [0], [0], [0, 0, 1, 0], [], []>, transpose_lhs_hint = false} : vector<2048x64xf32>, vector<32x64xf32>, vector<2048x32xf32> -> vector<2048x32xf32>
    %get3A_19 = arith.constant 0 : index
    %get3A_20 = arith.constant 0 : index
    %get3A_21 = vector.load %arg5[%get3A_19, %get3A_20] : memref<1x32xf32, #tpu.memory_space<vmem>>, vector<1x32xf32>
    %add3A_22 = vector.broadcast %get3A_21 : vector<1x32xf32> to vector<2048x32xf32>
    %add3A_23 = arith.addf %dot_general3A_18, %add3A_22 : vector<2048x32xf32>
    %gt3A_24 = arith.constant 0.000000e+00 : f32
    %gt3A_25 = vector.broadcast %gt3A_24 : f32 to vector<2048x32xf32>
    %gt3A_26 = arith.cmpf ogt, %add3A_23, %gt3A_25 : vector<2048x32xf32>
    %mul3A_27 = arith.constant 0.00999999977 : f32
    %mul3A_28 = vector.broadcast %mul3A_27 : f32 to vector<2048x32xf32>
    %mul3A_29 = arith.mulf %mul3A_28, %add3A_23 : vector<2048x32xf32>
    %select_n3A_30 = arith.select %gt3A_26, %add3A_23, %mul3A_29 : vector<2048x32xi1>, vector<2048x32xf32>
    %get3A_31 = arith.constant 0 : index
    %get3A_32 = arith.constant 0 : index
    %get3A_33 = vector.load %arg6[%get3A_31, %get3A_32] : memref<1x32xf32, #tpu.memory_space<vmem>>, vector<1x32xf32>
    %mul3A_34 = vector.broadcast %get3A_33 : vector<1x32xf32> to vector<2048x32xf32>
    %mul3A_35 = arith.mulf %select_n3A_30, %mul3A_34 : vector<2048x32xf32>
    %reduce_sum3A = arith.constant dense<0.000000e+00> : vector<2048xf32>
    %reduce_sum3A_36 = vector.multi_reduction <add>, %mul3A_35, %reduce_sum3A [1] : vector<2048x32xf32> to vector<2048xf32>
    %get3A_37 = arith.constant 0 : index
    %get3A_38 = arith.constant 0 : index
    %get3A_39 = memref.load %arg7[%get3A_37, %get3A_38] : memref<1x1xf32, #tpu.memory_space<smem>>
    %add3A_40 = vector.broadcast %get3A_39 : f32 to vector<2048xf32>
    %add3A_41 = arith.addf %reduce_sum3A_36, %add3A_40 : vector<2048xf32>
    %gt3A_42 = arith.constant 0.000000e+00 : f32
    %gt3A_43 = vector.broadcast %gt3A_42 : f32 to vector<2048xf32>
    %gt3A_44 = arith.cmpf ogt, %add3A_41, %gt3A_43 : vector<2048xf32>
    %mul3A_45 = arith.constant 0.00999999977 : f32
    %mul3A_46 = vector.broadcast %mul3A_45 : f32 to vector<2048xf32>
    %mul3A_47 = arith.mulf %mul3A_46, %add3A_41 : vector<2048xf32>
    %select_n3A_48 = arith.select %gt3A_44, %add3A_41, %mul3A_47 : vector<2048xi1>, vector<2048xf32>
    %reshape3A = vector.shape_cast %select_n3A_48 : vector<2048xf32> to vector<16x128xf32>
    %swap3A = arith.constant 0 : index
    %swap3A_49 = arith.constant 0 : index
    %swap3A_50 = vector.load %arg8[%swap3A, %swap3A_49] : memref<16x128xf32, #tpu.memory_space<vmem>>, vector<16x128xf32>
    tpu.vector_store %arg8[%swap3A, %swap3A_49], %reshape3A {strides = array<i32>} : memref<16x128xf32, #tpu.memory_space<vmem>>, vector<16x128xf32>,
    return
  }
  func.func @transform_0(%arg0: i32) -> (i32, i32) {
    %c0_i32 = arith.constant 0 : i32
    %c0_i32_0 = arith.constant 0 : i32
    return %arg0, %c0_i32 : i32, i32
  }
  func.func @transform_1(%arg0: i32) -> (i32, i32) {
    %c0_i32 = arith.constant 0 : i32
    %c0_i32_0 = arith.constant 0 : i32
    %c0_i32_1 = arith.constant 0 : i32
    return %c0_i32, %c0_i32_0 : i32, i32
  }
  func.func @transform_2(%arg0: i32) -> (i32, i32) {
    %c0_i32 = arith.constant 0 : i32
    %c0_i32_0 = arith.constant 0 : i32
    %c0_i32_1 = arith.constant 0 : i32
    return %c0_i32, %c0_i32_0 : i32, i32
  }
  func.func @transform_3(%arg0: i32) -> (i32, i32) {
    %c0_i32 = arith.constant 0 : i32
    %c0_i32_0 = arith.constant 0 : i32
    %c0_i32_1 = arith.constant 0 : i32
    return %c0_i32, %c0_i32_0 : i32, i32
  }
  func.func @transform_4(%arg0: i32) -> (i32, i32) {
    %c0_i32 = arith.constant 0 : i32
    %c0_i32_0 = arith.constant 0 : i32
    %c0_i32_1 = arith.constant 0 : i32
    return %c0_i32, %c0_i32_0 : i32, i32
  }
  func.func @transform_5(%arg0: i32) -> (i32, i32) {
    %c0_i32 = arith.constant 0 : i32
    %c0_i32_0 = arith.constant 0 : i32
    %c0_i32_1 = arith.constant 0 : i32
    return %c0_i32, %c0_i32_0 : i32, i32
  }
  func.func @transform_6(%arg0: i32) -> (i32, i32) {
    %c0_i32 = arith.constant 0 : i32
    %c0_i32_0 = arith.constant 0 : i32
    %c0_i32_1 = arith.constant 0 : i32
    return %c0_i32, %c0_i32_0 : i32, i32
  }
  func.func @transform_7(%arg0: i32) -> (i32, i32) {
    %c0_i32 = arith.constant 0 : i32
    %c0_i32_0 = arith.constant 0 : i32
    return %arg0, %c0_i32 : i32, i32
  }
}

</mosaic_0001>

<sc_bundles>
// kernel: kernel.5.cloned.1.call-start
scs
__scs_entry_jumppad:
0x0: {  	(pc) =	sbr.rel $0x88, $3  }
0x1: {  	(tag) =	ssettag $0x0;
	lr =	simm.s32 $0x1  }
0x2: {  	[smem:$0x3F97] =	sst lr;
	_ =	strace $0xD0000000  }
0x3: {  	_ = 	snop  }
0x4: {  	_ = 	snop  }
0x5: {  	_ = 	snop  }
0x6: {  	_ = 	snop  }
0x7: {  	_ = 	snop  }
__scs_overlays_trampoline_lowered:
0x8: {  	[smem:$0x3FA6] =	sst s0  }
0x9: {  	[smem:$0x3FA7] =	sst s1  }
0xa: {  	[smem:$0x3FA8] =	sst s2  }
0xb: {  	[smem:$0x3FA9] =	sst s3  }
0xc: {  	[smem:$0x3FAA] =	sst s4  }
0xd: {  	[smem:$0x3FAB] =	sst s5  }
0xe: {  	[smem:$0x3FAC] =	sst s6  }
0xf: {  	[smem:$0x3FAD] =	sst s7  }
0x10: {  	[smem:$0x3FAE] =	sst s8  }
0x11: {  	[smem:$0x3FAF] =	sst s9;
	s0 =	simm.s32 @!p0 $0x0  }
0x12: {  	s1 =	sld [smem:$0x3F95];
	s0 =	simm.s32 @p0 $0x1  }
0x13: {  	[smem:$0x3FB0] =	sst s0;
	s0 =	simm.s32 @!p1 $0x0  }
0x14: {  	s2 =	sld [smem:$0x3F94];
	s0 =	simm.s32 @p1 $0x1  }
0x15: {  	[smem:$0x3FB1] =	sst s0;
	s0 =	simm.s32 @!p2 $0x0  }
0x16: {  	s3 =	sld [smem:$0x3FDB];
	s0 =	simm.s32 @p2 $0x1  }
0x17: {  	s4 =	simm.s32 $0x1BF5;
	[smem:$0x3FB3] =	sst s0  }
0x18: {  	s0 =	sld [smem:$0x3F96];
	_ =	swait.ge [sflag:s4], $0x0  }
0x19: {  	s7 =	sld [smem:$0x3F97]  }
0x1a: {  	s8 =	sadd.s32 $0xFFFFE003, lr  }
0x1b: {  	s9 =	sadd.s32 $0xFFFFFEF7, lr;
	s5 =	simm.s32 $0xFFFFFFFF;
	p2 =	slt.u32 s8, $0xFFFFF086  }
0x1c: {  	p1 =	slt.u32 s9, $0xF7A;
	s5 =	simm.s32 @!p2 $0x0  }
0x1d: {  	s5 =	simm.s32 @p1 $0x1;
	p0 =	seq.s32 s7, s2  }
0x1e: {  	s7 =	smul.u32 @!p0 $0xF7A, s2;
	p2 =	seq.s32 @!p0 s5, $0x0  }
0x1f: {  	s9 =	smul.u32 $0xF7A, s1;
	s8 =	simm.s32 @!p0 $0x1BF5;
	p2 =	por !p2, p0  }
0x20: {  	[sflag:s8] =	ssyncset.s32 @!p0 $0xFFFFF086;
	s6 =	sadd.s32 @!p0 s3, s7;
	s7 =	simm.s32 @!p0 $0x108  }
0x21: {  	s3 =	sadd.s32 s3, s9;
	s6 =	sadd.s32 @!p0 $0x88, s6;
	s7 =	simm.s32 @p2 $0x1082  }
0x22: {  	[simem:s7], [sflag:s8] =	dma.local @!p0 [hbm:s6], $0xF7A  }
0x23: {  	s9 =	sor.u32 $0xD0000000, s2;
	s6 =	simm.s32 $0x108;
	_ =	swait.ge @!p0 [sflag:s8], $0x0  }
0x24: {  	s3 =	sadd.s32 $0x88, s3;
	s6 =	simm.s32 @!p1 $0x1082;
	[sflag:s4] =	ssyncset.s32 $0xFFFFF086  }
0x25: {  	[simem:s6], [sflag:s4] =	dma.local [hbm:s3], $0xF7A  }
0x26: {  	[smem:$0x3F97] =	sst s1;
	(tag) =	ssettag s2;
	_ =	strace s9  }
0x27: {  	s1 =	sld [smem:$0x3FA7]  }
0x28: {  	s2 =	sld [smem:$0x3FA8]  }
0x29: {  	s4 =	sld [smem:$0x3FAA]  }
0x2a: {  	p0 =	seq.s32 s5, $0x0;
	s5 =	sld [smem:$0x3FAB]  }
0x2b: {  	s6 =	sld [smem:$0x3FAC]  }
0x2c: {  	s7 =	sld [smem:$0x3FAD]  }
0x2d: {  	s3 =	simm.s32 $0x108;
	s8 =	sld [smem:$0x3FAE]  }
0x2e: {  	s3 =	simm.s32 @!p0 $0x1082;
	s9 =	sld [smem:$0x3FAF]  }
0x2f: {  	lr =	sadd.s32 s0, s3;
	s0 =	sld [smem:$0x3FA6]  }
0x30: {  	s3 =	sld [smem:$0x3FA9]  }
0x31: {  	[smem:$0x3FB2] =	sst s10  }
0x32: {  	s10 =	sld [smem:$0x3FB0];
	_ =	sdelay $0x3  }
0x33: {  	p0 =	seq.s32 s10, $0x1;
	s10 =	sld [smem:$0x3FB2];
	_ =	sdelay $0x3  }
0x34: {  	[smem:$0x3FB2] =	sst s10  }
0x35: {  	s10 =	sld [smem:$0x3FB1];
	_ =	sdelay $0x3  }
0x36: {  	p1 =	seq.s32 s10, $0x1;
	s10 =	sld [smem:$0x3FB2];
	_ =	sdelay $0x3  }
0x37: {  	[smem:$0x3FB2] =	sst s10  }
0x38: {  	s10 =	sld [smem:$0x3FB3]  }
0x39: {  	_ = 	snop;
	(pc) =	sbr.ind lr, $3  }
0x3a: {  	_ = 	snop  }
0x3b: {  	_ = 	snop  }
0x3c: {  	p2 =	seq.s32 s10, $0x1;
	s10 =	sld [smem:$0x3FB2]  }
0x3d: {  	_ =	shalt  }
0x3e: {  	_ =	shalt  }
0x3f: {  	_ =	shalt  }
0x40: {  	_ =	shalt  }
0x41: {  	_ =	shalt  }
0x42: {  	_ =	shalt  }
0x43: {  	_ =	shalt  }
0x44: {  	_ =	shalt  }
0x45: {  	_ =	shalt  }
0x46: {  	_ =	shalt  }
0x47: {  	_ =	shalt  }
0x48: {  	_ =	shalt  }
0x49: {  	_ =	shalt  }
0x4a: {  	_ =	shalt  }
0x4b: {  	_ =	shalt  }
0x4c: {  	_ =	shalt  }
0x4d: {  	_ =	shalt  }
0x4e: {  	_ =	shalt  }
0x4f: {  	_ =	shalt  }
0x50: {  	_ =	shalt  }
0x51: {  	_ =	shalt  }
0x52: {  	_ =	shalt  }
0x53: {  	_ =	shalt  }
0x54: {  	_ =	shalt  }
0x55: {  	_ =	shalt  }
0x56: {  	_ =	shalt  }
0x57: {  	_ =	shalt  }
0x58: {  	_ =	shalt  }
0x59: {  	_ =	shalt  }
0x5a: {  	_ =	shalt  }
0x5b: {  	_ =	shalt  }
0x5c: {  	_ =	shalt  }
0x5d: {  	_ =	shalt  }
0x5e: {  	_ =	shalt  }
0x5f: {  	_ =	shalt  }
0x60: {  	_ =	shalt  }
0x61: {  	_ =	shalt  }
0x62: {  	_ =	shalt  }
0x63: {  	_ =	shalt  }
0x64: {  	_ =	shalt  }
0x65: {  	_ =	shalt  }
0x66: {  	_ =	shalt  }
0x67: {  	_ =	shalt  }
0x68: {  	_ =	shalt  }
0x69: {  	_ =	shalt  }
0x6a: {  	_ =	shalt  }
0x6b: {  	_ =	shalt  }
0x6c: {  	_ =	shalt  }
0x6d: {  	_ =	shalt  }
0x6e: {  	_ =	shalt  }
0x6f: {  	_ =	shalt  }
0x70: {  	_ =	shalt  }
0x71: {  	_ =	shalt  }
0x72: {  	_ =	shalt  }
0x73: {  	_ =	shalt  }
0x74: {  	_ =	shalt  }
0x75: {  	_ =	shalt  }
0x76: {  	_ =	shalt  }
0x77: {  	_ =	shalt  }
0x78: {  	_ =	shalt  }
0x79: {  	_ =	shalt  }
0x7a: {  	_ =	shalt  }
0x7b: {  	_ =	shalt  }
0x7c: {  	_ =	shalt  }
0x7d: {  	_ =	shalt  }
0x7e: {  	_ =	shalt  }
0x7f: {  	_ =	shalt  }
0x80: {  	_ =	shalt  }
0x81: {  	_ =	shalt  }
0x82: {  	_ =	shalt  }
0x83: {  	_ =	shalt  }
0x84: {  	_ =	shalt  }
0x85: {  	_ =	shalt  }
0x86: {  	_ =	shalt  }
0x87: {  	_ =	shalt  }
.Lfunc_end0:
.L_simem_size_0:
called_computation_lowered:
.L_overlay_start_0:
0x88: {  	s2 =	sld [smem:$0x3FD9]  }
0x89: {  	s3 =	sld [smem:$0x3FFE];
	_ =	sdelay $0x1  }
0x8a: {  	s1 =	srdreg.scid  }
0x8b: {  	s0 =	sand.u32 $0x1, s1  }
0x8c: {  	s17 =	sshll.u32 s0, $0xA;
	s2 =	sadd.s32 s3, s2  }
0x8d: {  	s2 =	sadd.s32 s2, s17  }
0x8e: {  	[smem:$0x3FBE] =	sst s2  }
0x8f: {  	_ = 	snop  }
0x90: {  	s2 =	sld [smem:$0x3FD0];
	(tm) =	ssettm $0x1  }
0x91: {  	s18 =	sld [smem:$0x3FFB];
	_ =	sdelay $0x3  }
0x92: {  	_ =	strace s18  }
0x93: {  	s3 =	sld [smem:$0x3FFC];
	_ =	sdelay $0x3  }
0x94: {  	_ =	strace s3  }
0x95: {  	s3 =	sld [smem:$0x3FFD];
	_ =	sdelay $0x3  }
0x96: {  	_ =	strace s3  }
0x97: {  	_ =	strace $0x8FFFFFFF  }
0x98: {  	s19 =	sld [smem:$0x3FDB];
	_ =	sdelay $0x1  }
0x99: {  	s4 =	simm.s32 $_scs_section_size  }
0x9a: {  	s5 =	simm.s32 $_size__tile_overlayer_lowered;
	s6 =	simm.s32 $_tile_overlayer_lowered  }
0x9b: {  	s22 =	simm.s32 $0x1BFF;
	s21 =	sshll.u32 s6, $0x1;
	s3 =	sadd.s32 s4, s19  }
0x9c: {  	s7 =	simm.s32 $0x0;
	s20 =	sshll.u32 s5, $0x1;
	s5 =	sadd.s32 s21, s3  }
0x9d: {  	[timem:s7], [sflag:s22] =	dma.local [hbm:s5], s20  }
0x9e: {  	_ =	swait.ge [sflag:s22], s20  }
0x9f: {  	s4 =	ssub.s32 $0x0, s20;
	[sflag:s22] =	ssyncset.done $0x0  }
0xa0: {  	[sflag:s22] =	ssyncadd.s32 s4;
	_ =	sdelay $0x1  }
0xa1: {  	s23 =	simm.s32 $0x1B8B  }
0xa2: {  	_ =	swait.ge [sflag:s23], $0x1  }
0xa3: {  	[sflag:s23] =	ssyncset.done $0x0  }
0xa4: {  	s25 =	simm.s32 $0x1B8E;
	s24 =	sld [smem:$0x3FFE];
	[sflag:s23] =	ssyncadd.s32 $0xFFFFFFFF  }
0xa5: {  	s26 =	simm.s32 $execute0_lowered;
	[smem:$0x3FD2] =	sst s25  }
0xa6: {  	s5 =	sshll.u32 s26, $0x1;
	_ =	strace $0x80000046;
	[dreg:$0x1] =	wrdreg $0xFFFFFFFF  }
0xa7: {  	s28 =	simm.s32 $_size_execute0_lowered;
	s3 =	sadd.s32 s3, s5;
	[dreg:$0x0] =	wrdreg $0x0  }
0xa8: {  	s5 =	sshll.u32 s28, $0x1;
	[dreg:$0x2] =	wrdreg s3  }
0xa9: {  	[dreg:$0x3] =	wrdreg s5  }
0xaa: {  	[dreg:$0x4] =	wrdreg $0xC0  }
0xab: {  	_ =	task [dreg:s7], $0x5FFFF  }
0xac: {  	[dreg:$0x1] =	wrdreg $0xFFFFFFFF  }
0xad: {  	[dreg:$0x0] =	wrdreg $0x60  }
0xae: {  	[dreg:$0x2] =	wrdreg s24  }
0xaf: {  	[dreg:$0x3] =	wrdreg s2  }
0xb0: {  	[dreg:$0x4] =	wrdreg $0x9  }
0xb1: {  	_ =	task.clear_ibuf [dreg:s7], $0x5FFFF;
	_ =	strace $0x90000046  }
0xb2: {  	s29 =	simm.s32 $0x9;
	_ =	strace $0x80000048  }
0xb3: {  	_ =	swait.ge [sflag:s29], $0x1  }
0xb4: {  	[sflag:s29] =	ssyncadd.s32 $0xFFFFFFFF  }
0xb5: {  	_ =	strace $0x90000048  }
0xb6: {  	_ =	sfence  }
0xb7: {  	s30 =	sld [smem:$0x0];
	_ =	sdelay $0x2  }
0xb8: {  	s31 =	sshll.u32 s1, $0xD;
	s1 =	sshrl.u32 s1, $0x2  }
0xb9: {  	s3 =	sand.u32 $0x4000, s31;
	s1 =	sadd.s32 s1, s30  }
0xba: {  	s0 =	sor.u32 s3, s0;
	s1 =	sshll.u32 s1, $0x11  }
0xbb: {  	s0 =	sor.u32 s1, s0  }
0xbc: {  	s0 =	sadd.s32 $0x8F2B, s0  }
0xbd: {  	[sflag:s0] =	ssyncadd.remote.s32 $0x1  }
0xbe: {  	_ =	sfence.sel $0xFFFF  }
0xbf: {  	[dreg:$0x0] =	wrdreg $0xFFFFFFFF;
	(pc) =	sbr.abs _section_cstart, $3  }
0xc0: {  	[dreg:$0x1] =	wrdreg $0xFFFFFFFF  }
0xc1: {  	_ =	task.clear_ibuf [dreg:s7], $0x2FFFF;
	_ =	strace $0x9FFFFFFF  }
0xc2: {  	(tm) =	ssettm $0x7FFFFFFF  }
0xc3: {  	_ =	shalt  }
tec
execute0_lowered:
.L_overlay_start_1:
0x0: {  	(tag) =	ssettag $0x1  }
0x1: {  	s4 =	rddreg [dreg:$0x0]  }
0x2: {  	s5 =	rddreg [dreg:$0x1];
	s3 =	srdreg.scid  }
0x3: {  	s2 =	simm.s32 $0x0;
	s1 =	stileid.u32;
	s11 =	simm.s32 $0x6000  }
0x4: {  	s12 =	simm.s32 $0x100;
	s13 =	simm.s32 $0x8000;
	s14 =	simm.s32 $0x180  }
0x5: {  	s15 =	simm.s32 $0xA000;
	s16 =	simm.s32 $0x200;
	s17 =	simm.s32 $0xC000  }
0x6: {  	s18 =	simm.s32 $0x280;
	s19 =	simm.s32 $0xE000;
	s20 =	simm.s32 $0x300  }
0x7: {  	s21 =	simm.s32 $0x10000;
	s22 =	simm.s32 $0x380;
	s23 =	simm.s32 $0x12000  }
0x8: {  	s24 =	simm.s32 $0x1;
	s25 =	simm.s32 $0x2;
	s26 =	simm.s32 $0x0  }
0x9: {  	s6 =	sand.u32 $0x1, s3;
	[smem:$0x7FF] =	sst s2;
	s29 =	sshll.u32 s1, $0x8  }
0xa: {  	s3 =	sadd.s32 $0x11E00, s4;
	s30 =	sshll.u32 s1, $0x12;
	s7 =	sshll.u32 s6, $0x7  }
0xb: {  	_ =	strace $0x80000047;
	s8 =	ssub.s32 $0x2, s6;
	s7 =	sor.u32 s7, s29  }
0xc: {  	s6 =	sshll.u32 s6, $0x11;
	s10 =	sshrl.u32 s8, $0x1;
	s9 =	sshll.u32 s7, $0x4  }
0xd: {  	s8 =	ssub.s32 s8, s10;
	s7 =	sshll.u32 s7, $0xA;
	s10 =	simm.s32 $0x4000  }
0xe: {  	s4 =	sadd.s32 s9, s4;
	s9 =	sadd.s32 s30, s5;
	s5 =	sadd.s32 s5, s7  }
0xf: {  	s4 =	sadd.s32 $0x2F400, s4;
	s31 =	sadd.s32 s6, s9;
	s6 =	smax.u32 s8, $0x1  }
0x10: {  	s8 =	simm.s32 $0x3;
	s9 =	simm.s32 $0x80;
	s7 =	sadd.s32 $0x2000, s31  }
.LBB2_1:
0x11: {  	[tilespmem:s2], [sflag:$0x3] =	stream.linear.gather [hbm4b:s4+s2], $0x4000, $0x38;
	[tilespmem:$0x14000] =	vst v63  }
0x12: {  	_ =	swait.ge [sflag:s8], $0x4000  }
0x13: {  	[sflag:s8] =	ssyncset.done $0x0  }
0x14: {  	[sflag:s8] =	ssyncadd.s32 $0xFFFFC000  }
0x15: {  	[tilespmem:s10], [sflag:$0x1] =	stream.indirect.gather [hbm4b:s3+s9], $0x40, s2, s9, $0xb8;
	[tilespmem:$0x14000] =	vst v63  }
0x16: {  	_ = 	snop  }
0x17: {  	[tilespmem:s11], [sflag:$0x1] =	stream.indirect.gather [hbm4b:s3+s9], $0x40, s9, s9, $0xb8;
	[tilespmem:$0x14000] =	vst v63  }
0x18: {  	_ = 	snop  }
0x19: {  	[tilespmem:s13], [sflag:$0x1] =	stream.indirect.gather [hbm4b:s3+s9], $0x40, s12, s9, $0xb8;
	[tilespmem:$0x14000] =	vst v63  }
0x1a: {  	_ = 	snop  }
0x1b: {  	[tilespmem:s15], [sflag:$0x1] =	stream.indirect.gather [hbm4b:s3+s9], $0x40, s14, s9, $0xb8;
	[tilespmem:$0x14000] =	vst v63  }
0x1c: {  	_ = 	snop  }
0x1d: {  	[tilespmem:s17], [sflag:$0x1] =	stream.indirect.gather [hbm4b:s3+s9], $0x40, s16, s9, $0xb8;
	[tilespmem:$0x14000] =	vst v63  }
0x1e: {  	_ = 	snop  }
0x1f: {  	[tilespmem:s19], [sflag:$0x1] =	stream.indirect.gather [hbm4b:s3+s9], $0x40, s18, s9, $0xb8;
	[tilespmem:$0x14000] =	vst v63  }
0x20: {  	_ = 	snop  }
0x21: {  	[tilespmem:s21], [sflag:$0x1] =	stream.indirect.gather [hbm4b:s3+s9], $0x40, s20, s9, $0xb8;
	[tilespmem:$0x14000] =	vst v63  }
0x22: {  	_ = 	snop  }
0x23: {  	[tilespmem:s23], [sflag:$0x1] =	stream.indirect.gather [hbm4b:s3+s9], $0x40, s22, s9, $0xb8;
	[tilespmem:$0x14000] =	vst v63  }
0x24: {  	_ =	swait.ge [sflag:s24], $0x10000  }
0x25: {  	[sflag:s24] =	ssyncset.done $0x0  }
0x26: {  	[sflag:s24] =	ssyncadd.s32 $0xFFFF0000  }
0x27: {  	[hbm4b:s5+s2] =	stream.linear.scatter [tilespmem:s10], [sflag:$0x2], $0x10000, $0x38;
	[tilespmem:$0x14000] =	vst v63  }
0x28: {  	_ =	swait.ge [sflag:s25], $0x10000  }
0x29: {  	[sflag:s25] =	ssyncset.done $0x0  }
0x2a: {  	s28 =	simm.s32 $0x400;
	[sflag:s25] =	ssyncadd.s32 $0xFFFF0000  }
0x2b: {  	[tilespmem:s10], [sflag:$0x1] =	stream.indirect.gather [hbm4b:s3+s9], $0x40, s28, s9, $0xb8;
	[tilespmem:$0x14000] =	vst v63  }
0x2c: {  	s28 =	simm.s32 $0x480  }
0x2d: {  	[tilespmem:s11], [sflag:$0x1] =	stream.indirect.gather [hbm4b:s3+s9], $0x40, s28, s9, $0xb8;
	[tilespmem:$0x14000] =	vst v63  }
0x2e: {  	s28 =	simm.s32 $0x500  }
0x2f: {  	[tilespmem:s13], [sflag:$0x1] =	stream.indirect.gather [hbm4b:s3+s9], $0x40, s28, s9, $0xb8;
	[tilespmem:$0x14000] =	vst v63  }
0x30: {  	s28 =	simm.s32 $0x580  }
0x31: {  	[tilespmem:s15], [sflag:$0x1] =	stream.indirect.gather [hbm4b:s3+s9], $0x40, s28, s9, $0xb8;
	[tilespmem:$0x14000] =	vst v63  }
0x32: {  	s28 =	simm.s32 $0x600  }
0x33: {  	[tilespmem:s17], [sflag:$0x1] =	stream.indirect.gather [hbm4b:s3+s9], $0x40, s28, s9, $0xb8;
	[tilespmem:$0x14000] =	vst v63  }
0x34: {  	s28 =	simm.s32 $0x680  }
0x35: {  	[tilespmem:s19], [sflag:$0x1] =	stream.indirect.gather [hbm4b:s3+s9], $0x40, s28, s9, $0xb8;
	[tilespmem:$0x14000] =	vst v63  }
0x36: {  	s28 =	simm.s32 $0x700  }
0x37: {  	[tilespmem:s21], [sflag:$0x1] =	stream.indirect.gather [hbm4b:s3+s9], $0x40, s28, s9, $0xb8;
	[tilespmem:$0x14000] =	vst v63  }
0x38: {  	s28 =	simm.s32 $0x780  }
0x39: {  	[tilespmem:s23], [sflag:$0x1] =	stream.indirect.gather [hbm4b:s3+s9], $0x40, s28, s9, $0xb8;
	[tilespmem:$0x14000] =	vst v63  }
0x3a: {  	_ =	swait.ge [sflag:s24], $0x10000  }
0x3b: {  	s29 =	sadd.s32 $0x2000, s7;
	[sflag:s24] =	ssyncset.done $0x0  }
0x3c: {  	s30 =	smov.u32 s7;
	s28 =	simm.s32 $0x1000;
	[sflag:s24] =	ssyncadd.s32 $0xFFFF0000  }
.LBB2_2:
0x3d: {  	[hbm4b:s30+s2] =	stream.linear.scatter [tilespmem:s10], [sflag:$0x2], $0x10000, $0x38;
	[tilespmem:$0x14000] =	vst v63  }
0x3e: {  	s31 =	smov.u32 s28;
	s30 =	smov.u32 s29  }
0x3f: {  	p0 =	sne.s32 s28, $0xE000;
	s28 =	sadd.s32 $0x1000, s28;
	_ =	swait.ge [sflag:s25], $0x10000  }
0x40: {  	s31 =	sshra.s32 s31, $0x2;
	[sflag:s25] =	ssyncset.done $0x0  }
0x41: {  	s0 =	sadd.s32 $0x400, s31;
	[sflag:s25] =	ssyncadd.s32 $0xFFFF0000  }
0x42: {  	[tilespmem:s10], [sflag:$0x1] =	stream.indirect.gather [hbm4b:s3+s9], $0x40, s0, s9, $0xb8;
	[tilespmem:$0x14000] =	vst v63  }
0x43: {  	s0 =	sadd.s32 $0x480, s31  }
0x44: {  	[tilespmem:s11], [sflag:$0x1] =	stream.indirect.gather [hbm4b:s3+s9], $0x40, s0, s9, $0xb8;
	[tilespmem:$0x14000] =	vst v63  }
0x45: {  	s0 =	sadd.s32 $0x500, s31  }
0x46: {  	[tilespmem:s13], [sflag:$0x1] =	stream.indirect.gather [hbm4b:s3+s9], $0x40, s0, s9, $0xb8;
	[tilespmem:$0x14000] =	vst v63  }
0x47: {  	s0 =	sadd.s32 $0x580, s31  }
0x48: {  	[tilespmem:s15], [sflag:$0x1] =	stream.indirect.gather [hbm4b:s3+s9], $0x40, s0, s9, $0xb8;
	[tilespmem:$0x14000] =	vst v63  }
0x49: {  	s0 =	sadd.s32 $0x600, s31  }
0x4a: {  	[tilespmem:s17], [sflag:$0x1] =	stream.indirect.gather [hbm4b:s3+s9], $0x40, s0, s9, $0xb8;
	[tilespmem:$0x14000] =	vst v63  }
0x4b: {  	s0 =	sadd.s32 $0x680, s31  }
0x4c: {  	[tilespmem:s19], [sflag:$0x1] =	stream.indirect.gather [hbm4b:s3+s9], $0x40, s0, s9, $0xb8;
	[tilespmem:$0x14000] =	vst v63  }
0x4d: {  	s0 =	sadd.s32 $0x700, s31  }
0x4e: {  	[tilespmem:s21], [sflag:$0x1] =	stream.indirect.gather [hbm4b:s3+s9], $0x40, s0, s9, $0xb8;
	[tilespmem:$0x14000] =	vst v63  }
.Ltmp0:
0x4f: {  	s0 =	sadd.s32 $0x780, s31;
	(pc) =	sbr.rel @p0 .LBB2_2-.Ltmp0, $4  }
0x50: {  	[tilespmem:s23], [sflag:$0x1] =	stream.indirect.gather [hbm4b:s3+s9], $0x40, s0, s9, $0xb8;
	[tilespmem:$0x14000] =	vst v63  }
0x51: {  	_ =	swait.ge [sflag:s24], $0x10000  }
0x52: {  	[sflag:s24] =	ssyncset.done $0x0  }
0x53: {  	s29 =	sadd.s32 $0x2000, s29;
	[sflag:s24] =	ssyncadd.s32 $0xFFFF0000  }
0x54: {  	s26 =	sadd.s32 $0x1, s26  }
0x55: {  	p0 =	sne.s32 s26, s6  }
.Ltmp1:
0x56: {  	_ = 	snop;
	(pc) =	sbr.rel @p0 .LBB2_1-.Ltmp1, $4  }
0x57: {  	[hbm4b:s30+s2] =	stream.linear.scatter [tilespmem:s10], [sflag:$0x2], $0x10000, $0x38;
	[tilespmem:$0x14000] =	vst v63  }
0x58: {  	_ =	swait.ge [sflag:s25], $0x10000  }
0x59: {  	[sflag:s25] =	ssyncset.done $0x0  }
0x5a: {  	[sflag:s25] =	ssyncadd.s32 $0xFFFF0000  }
0x5b: {  	_ =	sfence.sel $0x180000  }
0x5c: {  	[bflag:$0x0] =	sbarrier.arrive $0xFFFF  }
0x5d: {  	_ =	strace $0x90000047  }
0x5e: {  	[bflag:$0x2] =	sbarrier.arrive $0xFFFF  }
0x5f: {  	p0 =	sne.s32 s1, $0x0;
	s0 =	rddreg [dreg:$0x2]  }
0x60: {  	s0 =	sadd.s32 @!p0 $0x100000, s0  }
0x61: {  	[sflag:s0] =	ssyncadd.tile.s32 @!p0 $0x1;
	_ =	shalt  }
.Lfunc_end2:
_tile_overlayer_lowered:
.L_overlay_start_2:
0x62: {  	(tag) =	ssettag $0x2  }
0x63: {  	s0 =	rddreg [dreg:$0x0];
	s2 =	stileid.u32  }
0x64: {  	s1 =	rddreg [dreg:$0x1];
	p0 =	sne.s32 s2, $0x0  }
0x65: {  	s3 =	rddreg [dreg:$0x2];
	[bflag:$0x3] =	sbarrier.arrive $0xFFFF;
	s2 =	simm.s32 @!p0 $0x1C03  }
0x66: {  	[timem:s3], [sflag:s2] =	dma.local @!p0 [hbm:s0], s1  }
0x67: {  	s0 =	simm.s32 @!p0 $0x3  }
0x68: {  	_ =	swait.ge @!p0 [sflag:s0], s1  }
0x69: {  	s1 =	ssub.s32 @!p0 $0x0, s1;
	[sflag:s0] =	ssyncset.done @!p0 $0x0  }
0x6a: {  	[sflag:s0] =	ssyncadd.s32 @!p0 s1  }
0x6b: {  	[bflag:$0x3] =	sbarrier.arrive $0xFFFF  }
0x6c: {  	_ =	shalt  }

// kernel: kernel.8.cloned.1.call-start
scs
__scs_entry_jumppad:
0x0: {  	(pc) =	sbr.rel $0x88, $3  }
0x1: {  	(tag) =	ssettag $0x0;
	lr =	simm.s32 $0x1  }
0x2: {  	[smem:$0x3F97] =	sst lr;
	_ =	strace $0xD0000000  }
0x3: {  	_ = 	snop  }
0x4: {  	_ = 	snop  }
0x5: {  	_ = 	snop  }
0x6: {  	_ = 	snop  }
0x7: {  	_ = 	snop  }
__scs_overlays_trampoline_lowered:
0x8: {  	[smem:$0x3FA6] =	sst s0  }
0x9: {  	[smem:$0x3FA7] =	sst s1  }
0xa: {  	[smem:$0x3FA8] =	sst s2  }
0xb: {  	[smem:$0x3FA9] =	sst s3  }
0xc: {  	[smem:$0x3FAA] =	sst s4  }
0xd: {  	[smem:$0x3FAB] =	sst s5  }
0xe: {  	[smem:$0x3FAC] =	sst s6  }
0xf: {  	[smem:$0x3FAD] =	sst s7  }
0x10: {  	[smem:$0x3FAE] =	sst s8  }
0x11: {  	[smem:$0x3FAF] =	sst s9;
	s0 =	simm.s32 @!p0 $0x0  }
0x12: {  	s1 =	sld [smem:$0x3F95];
	s0 =	simm.s32 @p0 $0x1  }
0x13: {  	[smem:$0x3FB0] =	sst s0;
	s0 =	simm.s32 @!p1 $0x0  }
0x14: {  	s2 =	sld [smem:$0x3F94];
	s0 =	simm.s32 @p1 $0x1  }
0x15: {  	[smem:$0x3FB1] =	sst s0;
	s0 =	simm.s32 @!p2 $0x0  }
0x16: {  	s3 =	sld [smem:$0x3FDB];
	s0 =	simm.s32 @p2 $0x1  }
0x17: {  	s4 =	simm.s32 $0x1BF5;
	[smem:$0x3FB3] =	sst s0  }
0x18: {  	s0 =	sld [smem:$0x3F96];
	_ =	swait.ge [sflag:s4], $0x0  }
0x19: {  	s7 =	sld [smem:$0x3F97]  }
0x1a: {  	s8 =	sadd.s32 $0xFFFFE003, lr  }
0x1b: {  	s9 =	sadd.s32 $0xFFFFFEF7, lr;
	s5 =	simm.s32 $0xFFFFFFFF;
	p2 =	slt.u32 s8, $0xFFFFF086  }
0x1c: {  	p1 =	slt.u32 s9, $0xF7A;
	s5 =	simm.s32 @!p2 $0x0  }
0x1d: {  	s5 =	simm.s32 @p1 $0x1;
	p0 =	seq.s32 s7, s2  }
0x1e: {  	s7 =	smul.u32 @!p0 $0xF7A, s2;
	p2 =	seq.s32 @!p0 s5, $0x0  }
0x1f: {  	s9 =	smul.u32 $0xF7A, s1;
	s8 =	simm.s32 @!p0 $0x1BF5;
	p2 =	por !p2, p0  }
0x20: {  	[sflag:s8] =	ssyncset.s32 @!p0 $0xFFFFF086;
	s6 =	sadd.s32 @!p0 s3, s7;
	s7 =	simm.s32 @!p0 $0x108  }
0x21: {  	s3 =	sadd.s32 s3, s9;
	s6 =	sadd.s32 @!p0 $0x88, s6;
	s7 =	simm.s32 @p2 $0x1082  }
0x22: {  	[simem:s7], [sflag:s8] =	dma.local @!p0 [hbm:s6], $0xF7A  }
0x23: {  	s9 =	sor.u32 $0xD0000000, s2;
	s6 =	simm.s32 $0x108;
	_ =	swait.ge @!p0 [sflag:s8], $0x0  }
0x24: {  	s3 =	sadd.s32 $0x88, s3;
	s6 =	simm.s32 @!p1 $0x1082;
	[sflag:s4] =	ssyncset.s32 $0xFFFFF086  }
0x25: {  	[simem:s6], [sflag:s4] =	dma.local [hbm:s3], $0xF7A  }
0x26: {  	[smem:$0x3F97] =	sst s1;
	(tag) =	ssettag s2;
	_ =	strace s9  }
0x27: {  	s1 =	sld [smem:$0x3FA7]  }
0x28: {  	s2 =	sld [smem:$0x3FA8]  }
0x29: {  	s4 =	sld [smem:$0x3FAA]  }
0x2a: {  	p0 =	seq.s32 s5, $0x0;
	s5 =	sld [smem:$0x3FAB]  }
0x2b: {  	s6 =	sld [smem:$0x3FAC]  }
0x2c: {  	s7 =	sld [smem:$0x3FAD]  }
0x2d: {  	s3 =	simm.s32 $0x108;
	s8 =	sld [smem:$0x3FAE]  }
0x2e: {  	s3 =	simm.s32 @!p0 $0x1082;
	s9 =	sld [smem:$0x3FAF]  }
0x2f: {  	lr =	sadd.s32 s0, s3;
	s0 =	sld [smem:$0x3FA6]  }
0x30: {  	s3 =	sld [smem:$0x3FA9]  }
0x31: {  	[smem:$0x3FB2] =	sst s10  }
0x32: {  	s10 =	sld [smem:$0x3FB0];
	_ =	sdelay $0x3  }
0x33: {  	p0 =	seq.s32 s10, $0x1;
	s10 =	sld [smem:$0x3FB2];
	_ =	sdelay $0x3  }
0x34: {  	[smem:$0x3FB2] =	sst s10  }
0x35: {  	s10 =	sld [smem:$0x3FB1];
	_ =	sdelay $0x3  }
0x36: {  	p1 =	seq.s32 s10, $0x1;
	s10 =	sld [smem:$0x3FB2];
	_ =	sdelay $0x3  }
0x37: {  	[smem:$0x3FB2] =	sst s10  }
0x38: {  	s10 =	sld [smem:$0x3FB3]  }
0x39: {  	_ = 	snop;
	(pc) =	sbr.ind lr, $3  }
0x3a: {  	_ = 	snop  }
0x3b: {  	_ = 	snop  }
0x3c: {  	p2 =	seq.s32 s10, $0x1;
	s10 =	sld [smem:$0x3FB2]  }
0x3d: {  	_ =	shalt  }
0x3e: {  	_ =	shalt  }
0x3f: {  	_ =	shalt  }
0x40: {  	_ =	shalt  }
0x41: {  	_ =	shalt  }
0x42: {  	_ =	shalt  }
0x43: {  	_ =	shalt  }
0x44: {  	_ =	shalt  }
0x45: {  	_ =	shalt  }
0x46: {  	_ =	shalt  }
0x47: {  	_ =	shalt  }
0x48: {  	_ =	shalt  }
0x49: {  	_ =	shalt  }
0x4a: {  	_ =	shalt  }
0x4b: {  	_ =	shalt  }
0x4c: {  	_ =	shalt  }
0x4d: {  	_ =	shalt  }
0x4e: {  	_ =	shalt  }
0x4f: {  	_ =	shalt  }
0x50: {  	_ =	shalt  }
0x51: {  	_ =	shalt  }
0x52: {  	_ =	shalt  }
0x53: {  	_ =	shalt  }
0x54: {  	_ =	shalt  }
0x55: {  	_ =	shalt  }
0x56: {  	_ =	shalt  }
0x57: {  	_ =	shalt  }
0x58: {  	_ =	shalt  }
0x59: {  	_ =	shalt  }
0x5a: {  	_ =	shalt  }
0x5b: {  	_ =	shalt  }
0x5c: {  	_ =	shalt  }
0x5d: {  	_ =	shalt  }
0x5e: {  	_ =	shalt  }
0x5f: {  	_ =	shalt  }
0x60: {  	_ =	shalt  }
0x61: {  	_ =	shalt  }
0x62: {  	_ =	shalt  }
0x63: {  	_ =	shalt  }
0x64: {  	_ =	shalt  }
0x65: {  	_ =	shalt  }
0x66: {  	_ =	shalt  }
0x67: {  	_ =	shalt  }
0x68: {  	_ =	shalt  }
0x69: {  	_ =	shalt  }
0x6a: {  	_ =	shalt  }
0x6b: {  	_ =	shalt  }
0x6c: {  	_ =	shalt  }
0x6d: {  	_ =	shalt  }
0x6e: {  	_ =	shalt  }
0x6f: {  	_ =	shalt  }
0x70: {  	_ =	shalt  }
0x71: {  	_ =	shalt  }
0x72: {  	_ =	shalt  }
0x73: {  	_ =	shalt  }
0x74: {  	_ =	shalt  }
0x75: {  	_ =	shalt  }
0x76: {  	_ =	shalt  }
0x77: {  	_ =	shalt  }
0x78: {  	_ =	shalt  }
0x79: {  	_ =	shalt  }
0x7a: {  	_ =	shalt  }
0x7b: {  	_ =	shalt  }
0x7c: {  	_ =	shalt  }
0x7d: {  	_ =	shalt  }
0x7e: {  	_ =	shalt  }
0x7f: {  	_ =	shalt  }
0x80: {  	_ =	shalt  }
0x81: {  	_ =	shalt  }
0x82: {  	_ =	shalt  }
0x83: {  	_ =	shalt  }
0x84: {  	_ =	shalt  }
0x85: {  	_ =	shalt  }
0x86: {  	_ =	shalt  }
0x87: {  	_ =	shalt  }
.Lfunc_end0:
.L_simem_size_0:
called_computation.1_lowered:
.L_overlay_start_0:
0x88: {  	s2 =	sld [smem:$0x3FD9]  }
0x89: {  	s3 =	sld [smem:$0x3FFE];
	_ =	sdelay $0x1  }
0x8a: {  	s1 =	srdreg.scid  }
0x8b: {  	s0 =	sand.u32 $0x1, s1  }
0x8c: {  	s17 =	sshll.u32 s0, $0xA;
	s2 =	sadd.s32 s3, s2  }
0x8d: {  	s2 =	sadd.s32 s2, s17  }
0x8e: {  	[smem:$0x3FBE] =	sst s2  }
0x8f: {  	_ = 	snop  }
0x90: {  	s2 =	sld [smem:$0x3FD0];
	(tm) =	ssettm $0x1  }
0x91: {  	s18 =	sld [smem:$0x3FFB];
	_ =	sdelay $0x3  }
0x92: {  	_ =	strace s18  }
0x93: {  	s3 =	sld [smem:$0x3FFC];
	_ =	sdelay $0x3  }
0x94: {  	_ =	strace s3  }
0x95: {  	s3 =	sld [smem:$0x3FFD];
	_ =	sdelay $0x3  }
0x96: {  	_ =	strace s3  }
0x97: {  	_ =	strace $0x8FFFFFFF  }
0x98: {  	s19 =	sld [smem:$0x3FDB];
	_ =	sdelay $0x1  }
0x99: {  	s4 =	simm.s32 $_scs_section_size  }
0x9a: {  	s5 =	simm.s32 $_size__tile_overlayer_lowered;
	s6 =	simm.s32 $_tile_overlayer_lowered  }
0x9b: {  	s22 =	simm.s32 $0x1BFF;
	s21 =	sshll.u32 s6, $0x1;
	s3 =	sadd.s32 s4, s19  }
0x9c: {  	s7 =	simm.s32 $0x0;
	s20 =	sshll.u32 s5, $0x1;
	s5 =	sadd.s32 s21, s3  }
0x9d: {  	[timem:s7], [sflag:s22] =	dma.local [hbm:s5], s20  }
0x9e: {  	_ =	swait.ge [sflag:s22], s20  }
0x9f: {  	s4 =	ssub.s32 $0x0, s20;
	[sflag:s22] =	ssyncset.done $0x0  }
0xa0: {  	[sflag:s22] =	ssyncadd.s32 s4;
	_ =	sdelay $0x1  }
0xa1: {  	s23 =	simm.s32 $0x1B8B  }
0xa2: {  	_ =	swait.ge [sflag:s23], $0x1  }
0xa3: {  	[sflag:s23] =	ssyncset.done $0x0  }
0xa4: {  	s25 =	simm.s32 $0x1B8E;
	s24 =	sld [smem:$0x3FFE];
	[sflag:s23] =	ssyncadd.s32 $0xFFFFFFFF  }
0xa5: {  	s26 =	simm.s32 $execute0_lowered;
	[smem:$0x3FD2] =	sst s25  }
0xa6: {  	s5 =	sshll.u32 s26, $0x1;
	_ =	strace $0x80000049;
	[dreg:$0x1] =	wrdreg $0xFFFFFFFF  }
0xa7: {  	s28 =	simm.s32 $_size_execute0_lowered;
	s3 =	sadd.s32 s3, s5;
	[dreg:$0x0] =	wrdreg $0x0  }
0xa8: {  	s5 =	sshll.u32 s28, $0x1;
	[dreg:$0x2] =	wrdreg s3  }
0xa9: {  	[dreg:$0x3] =	wrdreg s5  }
0xaa: {  	[dreg:$0x4] =	wrdreg $0xC0  }
0xab: {  	_ =	task [dreg:s7], $0x5FFFF  }
0xac: {  	[dreg:$0x1] =	wrdreg $0xFFFFFFFF  }
0xad: {  	[dreg:$0x0] =	wrdreg $0x60  }
0xae: {  	[dreg:$0x2] =	wrdreg s24  }
0xaf: {  	[dreg:$0x3] =	wrdreg s2  }
0xb0: {  	[dreg:$0x4] =	wrdreg $0x1C2000  }
0xb1: {  	[dreg:$0x5] =	wrdreg $0x9  }
0xb2: {  	_ =	task.clear_ibuf [dreg:s7], $0x6FFFF;
	_ =	strace $0x90000049  }
0xb3: {  	s29 =	simm.s32 $0x9;
	_ =	strace $0x8000004B  }
0xb4: {  	_ =	swait.ge [sflag:s29], $0x1  }
0xb5: {  	[sflag:s29] =	ssyncadd.s32 $0xFFFFFFFF  }
0xb6: {  	_ =	strace $0x9000004B  }
0xb7: {  	_ =	sfence  }
0xb8: {  	s30 =	sld [smem:$0x0];
	_ =	sdelay $0x2  }
0xb9: {  	s31 =	sshll.u32 s1, $0xD;
	s1 =	sshrl.u32 s1, $0x2  }
0xba: {  	s3 =	sand.u32 $0x4000, s31;
	s1 =	sadd.s32 s1, s30  }
0xbb: {  	s0 =	sor.u32 s3, s0;
	s1 =	sshll.u32 s1, $0x11  }
0xbc: {  	s0 =	sor.u32 s1, s0  }
0xbd: {  	s0 =	sadd.s32 $0x8F2B, s0  }
0xbe: {  	[sflag:s0] =	ssyncadd.remote.s32 $0x1  }
0xbf: {  	_ =	sfence.sel $0xFFFF  }
0xc0: {  	[dreg:$0x0] =	wrdreg $0xFFFFFFFF;
	(pc) =	sbr.abs _section_cstart, $3  }
0xc1: {  	[dreg:$0x1] =	wrdreg $0xFFFFFFFF  }
0xc2: {  	_ =	task.clear_ibuf [dreg:s7], $0x2FFFF;
	_ =	strace $0x9FFFFFFF  }
0xc3: {  	(tm) =	ssettm $0x7FFFFFFF  }
tec
execute0_lowered:
.L_overlay_start_1:
0x0: {  	(tag) =	ssettag $0x1  }
0x1: {  	s4 =	rddreg [dreg:$0x0]  }
0x2: {  	s7 =	rddreg [dreg:$0x1]  }
0x3: {  	s1 =	rddreg [dreg:$0x2]  }
0x4: {  	s0 =	rddreg [dreg:$0x3];
	s2 =	simm.s32 $0x0  }
0x5: {  	s12 =	stileid.u32;
	s3 =	srdreg.scid;
	s11 =	simm.s32 $0x4000  }
0x6: {  	s14 =	simm.s32 $0xC000;
	s15 =	simm.s32 $0x10080;
	s16 =	simm.s32 $0x80  }
0x7: {  	s17 =	simm.s32 $0x0;
	[smem:$0x7FF] =	sst s2;
	s8 =	sshll.u32 s12, $0xB  }
0x8: {  	s9 =	sand.u32 $0x1, s3;
	s3 =	sadd.s32 $0x11E00, s4;
	p0 =	sne.s32 s12, $0x0  }
.Ltmp0:
0x9: {  	s12 =	simm.s32 $0x8000;
	_ =	strace $0x8000004A;
	(pc) =	sbr.rel .LBB2_1-.Ltmp0, $4  }
0xa: {  	s6 =	sadd.s32 s8, s4;
	s5 =	ssub.s32 $0x2, s9;
	s4 =	sadd.s32 $0x19A00, s4  }
0xb: {  	s7 =	sadd.s32 s7, s8;
	s8 =	smul.u32 $0x9C4, s9;
	s10 =	sshrl.u32 s5, $0x1  }
0xc: {  	s13 =	sshrl.u32 @!p0 s1, $0x3;
	s10 =	ssub.s32 s5, s10;
	s5 =	sadd.s32 $0x1E00, s6  }
0xd: {  	v0 =	vimm.s32 $0x0;
	v1 =	vimm.s32 $0x3D090;
	s6 =	sadd.s32 $0x9E00, s6;
	s9 =	smax.u32 s10, $0x1;
	s10 =	simm.s32 $0x1  }
.LBB2_16:
0xe: {  	s17 =	sadd.s32 $0x1, s17  }
0xf: {  	p1 =	sne.s32 s17, s9  }
.Ltmp1:
0x10: {  	_ = 	snop;
	(pc) =	sbr.rel @!p1 .LBB2_17-.Ltmp1, $1  }
0x11: {  	_ =	sdelay $0x3  }
.LBB2_1:
0x12: {  	[tilespmem:s2], [sflag:$0x1] =	stream.linear.gather [hbm4b:s5+s2], $0x4000, $0x38;
	[tilespmem:$0x1FF18] =	vst v63  }
0x13: {  	_ =	swait.ge [sflag:s10], $0x4000  }
0x14: {  	[sflag:s10] =	ssyncset.done $0x0  }
0x15: {  	[sflag:s10] =	ssyncadd.s32 $0xFFFFC000  }
0x16: {  	[tilespmem:s11], [sflag:$0x1] =	stream.linear.gather [hbm4b:s6+s2], $0x4000, $0x38;
	[tilespmem:$0x1FF18] =	vst v63  }
0x17: {  	_ =	swait.ge [sflag:s10], $0x4000  }
0x18: {  	[sflag:s10] =	ssyncset.done $0x0  }
.Ltmp2:
0x19: {  	[sflag:s10] =	ssyncadd.s32 $0xFFFFC000;
	(pc) =	sbr.rel .LBB2_2-.Ltmp2, $4  }
0x1a: {  	[tilespmem:s12], [sflag:$0x1] =	stream.linear.gather [hbm4b:s7+s2], $0x4000, $0x38;
	[tilespmem:$0x1FF18] =	vst v63  }
0x1b: {  	_ =	swait.ge [sflag:s10], $0x4000  }
0x1c: {  	[sflag:s10] =	ssyncset.done $0x0  }
0x1d: {  	s18 =	simm.s32 $0x0;
	[sflag:s10] =	ssyncadd.s32 $0xFFFFC000  }
.LBB2_14:
0x1e: {  	[sflag:s10] =	ssyncadd.s32 $0xFFFFFF80  }
.LBB2_15:
0x1f: {  	s19 =	smul.u32 @!p0 $0x4E2, s19  }
0x20: {  	[bflag:$0x0] =	sbarrier.arrive $0xFFFF  }
0x21: {  	s20 =	simm.s32 @!p0 $0x1C01;
	s18 =	sadd.s32 $0x1, s18;
	s19 =	sadd.s32 @!p0 s4, s19  }
0x22: {  	[hbm:s19], [sflag:s20] =	dma.local @!p0 [spmem:s13], $0x7A12  }
0x23: {  	p1 =	sne.s32 s18, $0x64;
	s19 =	simm.s32 @!p0 $0x1  }
.Ltmp3:
0x24: {  	_ =	swait.ge @!p0 [sflag:s19], $0x7A12;
	(pc) =	sbr.rel @!p1 .LBB2_16-.Ltmp3, $3  }
0x25: {  	[sflag:s19] =	ssyncset.done @!p0 $0x0  }
0x26: {  	[sflag:s19] =	ssyncadd.s32 @!p0 $0xFFFF85EE  }
0x27: {  	[bflag:$0x0] =	sbarrier.arrive $0xFFFF;
	_ =	sdelay $0x1  }
.LBB2_2:
0x28: {  	s19 =	simm.s32 @!p0 $0x1C01;
	s30 =	smul.u32 $0x19, s18;
	s20 =	simm.s32 @!p0 $0x1  }
0x29: {  	[spmem:s13], [sflag:s19] =	dma.local @!p0 [hbm:s3], $0x7A12  }
.Ltmp4:
0x2a: {  	_ =	swait.ge @!p0 [sflag:s20], $0x7A12;
	(pc) =	sbr.rel .LBB2_3-.Ltmp4, $4  }
0x2b: {  	[sflag:s20] =	ssyncset.done @!p0 $0x0  }
0x2c: {  	s19 =	sadd.s32 s8, s30;
	[sflag:s20] =	ssyncadd.s32 @!p0 $0xFFFF85EE  }
0x2d: {  	s31 =	sadd.s32 $0x19, s19;
	[bflag:$0x0] =	sbarrier.arrive $0xFFFF  }
0x2e: {  	s22 =	simm.s32 $0x0;
	v2 =	vmov s19;
	v3 =	vmov s31;
	s20 =	simm.s32 $0x0  }
.LBB2_5:
0x2f: {  	s20 =	sadd.s32 $0x200, s20  }
0x30: {  	p1 =	sne.s32 s20, $0x10000  }
.Ltmp5:
0x31: {  	_ = 	snop;
	(pc) =	sbr.rel @!p1 .LBB2_6-.Ltmp5, $1  }
0x32: {  	_ =	sdelay $0x3  }
.LBB2_3:
0x33: {  	s21 =	sshra.s32 s20, $0x2  }
0x34: {  	v11 =	vld [tilespmem:s21+$0x4000]  }
0x35: {  	v10 =	vld [tilespmem:s21+$0x4010]  }
0x36: {  	v9 =	vld [tilespmem:s21+$0x4020]  }
0x37: {  	v5 =	vld [tilespmem:s21+$0x4060]  }
0x38: {  	v7 =	vld [tilespmem:s21+$0x4040]  }
0x39: {  	v8 =	vld [tilespmem:s21+$0x4030]  }
0x3a: {  	vm0 =	vge.s32 v11, v2  }
0x3b: {  	vm1 =	vlt.s32 v11, v3;
	vm2 =	vge.s32 v9, v2;
	vm3 =	vlt.s32 v9, v3  }
0x3c: {  	v6 =	vld [tilespmem:s21+$0x4050];
	vm8 =	vge.s32 v5, v2;
	vm7 =	vmand vm0, vm1;
	vm0 =	vge.s32 v10, v2  }
0x3d: {  	v4 =	vld [tilespmem:s21+$0x4070];
	vm1 =	vlt.s32 v10, v3;
	vm5 =	vmand vm2, vm3;
	vm2 =	vge.s32 v7, v2  }
0x3e: {  	vm6 =	vmand vm0, vm1;
	vm0 =	vge.s32 v8, v2;
	vm1 =	vlt.s32 v8, v3  }
0x3f: {  	vm3 =	vlt.s32 v7, v3;
	vm4 =	vmand vm0, vm1;
	vm0 =	vmor vm7, vm6  }
0x40: {  	vm9 =	vlt.s32 v5, v3;
	vm3 =	vmand vm2, vm3;
	vm0 =	vmor vm0, vm5  }
0x41: {  	vm2 =	vlt.s32 v6, v3;
	vm1 =	vge.s32 v6, v2;
	vm0 =	vmor vm0, vm4  }
0x42: {  	vm15 =	vlt.s32 v4, v3;
	vm2 =	vmand vm1, vm2;
	vm0 =	vmor vm0, vm3  }
0x43: {  	vm1 =	vmand vm8, vm9;
	vm8 =	vge.s32 v4, v2;
	vm10 =	vmor vm0, vm2  }
0x44: {  	vm0 =	vmand vm8, vm15;
	vm8 =	vmor vm10, vm1  }
0x45: {  	vm8 =	vmor vm8, vm0  }
0x46: {  	v12 =	vmpcnt.ones.xlane vm8;
	_ =	sdelay $0x1  }
0x47: {  	(v2sf) =	vpush v12, $0x0;
	_ =	sdelay $0xe  }
0x48: {  	s23 =	spop (v2sf)  }
0x49: {  	p1 =	slt.s32 s23, $0x1  }
.Ltmp6:
0x4a: {  	_ = 	snop;
	(pc) =	sbr.rel @p1 .LBB2_5-.Ltmp6, $1  }
0x4b: {  	_ =	sdelay $0x3  }
0x4c: {  	v12 =	vmpcnt.ones.xlane vm7;
	_ =	sdelay $0x1  }
0x4d: {  	(v2sf) =	vpush v12, $0x0  }
0x4e: {  	v18 =	vsel vm7, $0x1, v0  }
0x4f: {  	(xrf0) =	vadd.scan.msk.s32 $0xffff, v18;
	_ =	sdelay $0x3  }
0x50: {  	v19 =	vmpcnt.ones.xlane vm6  }
0x51: {  	v13 =	vsel vm7, $0xFFFFFFFF, v0  }
0x52: {  	v14 =	vld [tilespmem:s21+$0x0];
	v20 =	vsel vm6, $0x1, v0;
	v13 =	vadd.s32 s22, v13;
	(v2sf) =	vpush v19, $0x0;
	v15, _, _ =	vpop (xrf0)  }
0x53: {  	(xrf0) =	vadd.scan.msk.s32 $0xffff, v20;
	v13 =	vadd.s32 v15, v13  }
0x54: {  	v21 =	vld [tilespmem:s21+$0x8000];
	v11 =	vsub.s32 v11, v2  }
0x55: {  	v11 =	vmul.u32 $0x2710, v11;
	_ =	sdelay $0x1  }
0x56: {  	v11 =	vadd.s32 v11, v14  }
0x57: {  	v22 =	vmpcnt.ones.xlane vm5;
	[tilespmem:v13+s14+$0x0] =	vst.idx.msk vm7, v11  }
0x58: {  	v23 =	vsel vm6, $0xFFFFFFFF, v0;
	v24, _, _ =	vpop (xrf0);
	[tilespmem:v13+s15+$0x0] =	vst.idx.msk vm7, v21;
	s23 =	spop (v2sf)  }
0x59: {  	v26 =	vsel vm5, $0x1, v0;
	v12 =	vadd.s32 v23, v24;
	v25 =	vld [tilespmem:s21+$0x10];
	(v2sf) =	vpush v22, $0x0;
	s23 =	sadd.s32 s22, s23  }
0x5a: {  	(xrf0) =	vadd.scan.msk.s32 $0xffff, v26;
	v27 =	vadd.s32 s23, v12  }
0x5b: {  	v10 =	vsub.s32 v10, v2;
	v28 =	vld [tilespmem:s21+$0x8010]  }
0x5c: {  	v10 =	vmul.u32 $0x2710, v10;
	_ =	sdelay $0x1  }
0x5d: {  	v10 =	vadd.s32 v10, v25  }
0x5e: {  	v29 =	vmpcnt.ones.xlane vm4;
	[tilespmem:v27+s14+$0x0] =	vst.idx.msk vm6, v10  }
0x5f: {  	v30 =	vsel vm5, $0xFFFFFFFF, v0;
	s24 =	spop (v2sf);
	v31, _, _ =	vpop (xrf0);
	[tilespmem:v27+s15+$0x0] =	vst.idx.msk vm6, v28  }
0x60: {  	v33 =	vsel vm4, $0x1, v0;
	(v2sf) =	vpush v29, $0x0;
	s22 =	sadd.s32 s23, s24;
	v11 =	vadd.s32 v30, v31;
	v32 =	vld [tilespmem:s21+$0x20]  }
0x61: {  	(xrf0) =	vadd.scan.msk.s32 $0xffff, v33;
	v34 =	vadd.s32 s22, v11  }
0x62: {  	v9 =	vsub.s32 v9, v2;
	v35 =	vld [tilespmem:s21+$0x8020]  }
0x63: {  	v9 =	vmul.u32 $0x2710, v9;
	_ =	sdelay $0x1  }
0x64: {  	v9 =	vadd.s32 v9, v32  }
0x65: {  	v36 =	vmpcnt.ones.xlane vm3;
	[tilespmem:v34+s14+$0x0] =	vst.idx.msk vm5, v9  }
0x66: {  	v37 =	vsel vm4, $0xFFFFFFFF, v0;
	v38, _, _ =	vpop (xrf0);
	s25 =	spop (v2sf);
	[tilespmem:v34+s15+$0x0] =	vst.idx.msk vm5, v35  }
0x67: {  	v40 =	vsel vm3, $0x1, v0;
	v10 =	vadd.s32 v37, v38;
	(v2sf) =	vpush v36, $0x0;
	s22 =	sadd.s32 s22, s25;
	v39 =	vld [tilespmem:s21+$0x30]  }
0x68: {  	(xrf0) =	vadd.scan.msk.s32 $0xffff, v40;
	v41 =	vadd.s32 s22, v10  }
0x69: {  	v8 =	vsub.s32 v8, v2;
	v42 =	vld [tilespmem:s21+$0x8030]  }
0x6a: {  	v8 =	vmul.u32 $0x2710, v8;
	_ =	sdelay $0x1  }
0x6b: {  	v8 =	vadd.s32 v8, v39  }
0x6c: {  	v43 =	vmpcnt.ones.xlane vm2;
	[tilespmem:v41+s14+$0x0] =	vst.idx.msk vm4, v8  }
0x6d: {  	v44 =	vsel vm3, $0xFFFFFFFF, v0;
	v45, _, _ =	vpop (xrf0);
	s26 =	spop (v2sf);
	[tilespmem:v41+s15+$0x0] =	vst.idx.msk vm4, v42  }
0x6e: {  	v47 =	vsel vm2, $0x1, v0;
	v9 =	vadd.s32 v44, v45;
	(v2sf) =	vpush v43, $0x0;
	s22 =	sadd.s32 s22, s26;
	v46 =	vld [tilespmem:s21+$0x40]  }
0x6f: {  	(xrf0) =	vadd.scan.msk.s32 $0xffff, v47;
	v48 =	vadd.s32 s22, v9  }
0x70: {  	v7 =	vsub.s32 v7, v2;
	v49 =	vld [tilespmem:s21+$0x8040]  }
0x71: {  	v7 =	vmul.u32 $0x2710, v7;
	_ =	sdelay $0x1  }
0x72: {  	v7 =	vadd.s32 v7, v46  }
0x73: {  	v50 =	vmpcnt.ones.xlane vm1;
	[tilespmem:v48+s14+$0x0] =	vst.idx.msk vm3, v7  }
0x74: {  	v51 =	vsel vm2, $0xFFFFFFFF, v0;
	v52, _, _ =	vpop (xrf0);
	s28 =	spop (v2sf);
	[tilespmem:v48+s15+$0x0] =	vst.idx.msk vm3, v49  }
0x75: {  	v54 =	vsel vm1, $0x1, v0;
	v8 =	vadd.s32 v51, v52;
	(v2sf) =	vpush v50, $0x0;
	s22 =	sadd.s32 s22, s28;
	v53 =	vld [tilespmem:s21+$0x50]  }
0x76: {  	(xrf0) =	vadd.scan.msk.s32 $0xffff, v54;
	v55 =	vadd.s32 s22, v8  }
0x77: {  	v6 =	vsub.s32 v6, v2;
	v56 =	vld [tilespmem:s21+$0x8050]  }
0x78: {  	v6 =	vmul.u32 $0x2710, v6;
	_ =	sdelay $0x1  }
0x79: {  	v57 =	vmpcnt.ones.xlane vm0;
	v6 =	vadd.s32 v6, v53  }
0x7a: {  	[tilespmem:v55+s14+$0x0] =	vst.idx.msk vm2, v6  }
0x7b: {  	v58 =	vsel vm1, $0xFFFFFFFF, v0;
	v59, _, _ =	vpop (xrf0);
	s29 =	spop (v2sf);
	(v2sf) =	vpush v57, $0x0;
	[tilespmem:v55+s15+$0x0] =	vst.idx.msk vm2, v56  }
0x7c: {  	v60 =	vsel vm0, $0x1, v0;
	s22 =	sadd.s32 s22, s29;
	v6 =	vadd.s32 v58, v59;
	v8 =	vld [tilespmem:s21+$0x60]  }
0x7d: {  	(xrf0) =	vadd.scan.msk.s32 $0xffff, v60;
	v6 =	vadd.s32 s22, v6  }
0x7e: {  	v5 =	vsub.s32 v5, v2;
	v61 =	vld [tilespmem:s21+$0x8060]  }
0x7f: {  	v5 =	vmul.u32 $0x2710, v5;
	_ =	sdelay $0x1  }
0x80: {  	v5 =	vadd.s32 v5, v8  }
0x81: {  	[tilespmem:v6+s14+$0x0] =	vst.idx.msk vm1, v5  }
0x82: {  	v62, _, _ =	vpop (xrf0);
	s30 =	spop (v2sf);
	v5 =	vsel vm0, $0xFFFFFFFF, v0;
	[tilespmem:v6+s15+$0x0] =	vst.idx.msk vm1, v61  }
0x83: {  	s22 =	sadd.s32 s22, s30;
	v5 =	vadd.s32 v5, v62;
	v7 =	vld [tilespmem:s21+$0x70]  }
0x84: {  	v5 =	vadd.s32 s22, v5  }
0x85: {  	v4 =	vsub.s32 v4, v2;
	v63 =	vld [tilespmem:s21+$0x8070]  }
.Ltmp7:
0x86: {  	v4 =	vmul.u32 $0x2710, v4;
	(pc) =	sbr.rel .LBB2_5-.Ltmp7, $4  }
0x87: {  	_ = 	snop  }
0x88: {  	v4 =	vadd.s32 v4, v7  }
0x89: {  	s31 =	spop (v2sf);
	[tilespmem:v5+s14+$0x0] =	vst.idx.msk vm0, v4  }
0x8a: {  	s22 =	sadd.s32 s22, s31;
	[tilespmem:v5+s15+$0x0] =	vst.idx.msk vm0, v63  }
.LBB2_6:
0x8b: {  	[tilespmem:s22+$0xC000] =	vst v1;
	s20 =	sadd.s32 $0x7F, s22  }
0x8c: {  	[tilespmem:s22+$0xC010] =	vst v1;
	s23 =	sshra.s32 s20, $0x7  }
0x8d: {  	[tilespmem:s22+$0xC020] =	vst v1;
	p1 =	slt.s32 s23, $0x1  }
.Ltmp8:
0x8e: {  	[tilespmem:s22+$0xC030] =	vst v1;
	(pc) =	sbr.rel @p1 .LBB2_15-.Ltmp8, $4  }
0x8f: {  	[tilespmem:s22+$0xC040] =	vst v1  }
0x90: {  	[tilespmem:s22+$0xC050] =	vst v1  }
0x91: {  	[tilespmem:s22+$0xC060] =	vst v1  }
0x92: {  	[tilespmem:s22+$0xC070] =	vst v1  }
0x93: {  	s24 =	sshll.u32 s23, $0x3  }
0x94: {  	p2 =	sne.s32 s24, $0x1  }
.Ltmp9:
0x95: {  	_ = 	snop;
	(pc) =	sbr.rel @!p2 .LBB2_8-.Ltmp9, $3  }
0x96: {  	_ =	sdelay $0x1  }
0x97: {  	s20 =	simm.s32 $0x14100;
	s21 =	simm.s32 $0x18180;
	s25 =	simm.s32 $0xC000  }
0x98: {  	s22 =	simm.s32 $0x10080;
	p1 =	por $0x0, $0x0;
	v2 =	vld [tilespmem:s25+$0x0];
	s24 =	sadd.s32 $0xFFFFFFFF, s24  }
0x99: {  	_ =	sdelay $0x3  }
0x9a: {  	[tilespmem:s20+$0x0] =	vst v2  }
0x9b: {  	v2 =	vld [tilespmem:s22+$0x0]  }
0x9c: {  	p2 =	sne.s32 s24, $0x1  }
.Ltmp10:
0x9d: {  	_ = 	snop;
	(pc) =	sbr.rel @!p2 .LBB2_10-.Ltmp10, $3  }
0x9e: {  	_ =	sdelay $0x1  }
0x9f: {  	s28 =	simm.s32 $0xC010;
	s29 =	sadd.s32 $0xFFFFFFFF, s24;
	p1 =	por $0x1, $0x1;
	[tilespmem:s21+$0x0] =	vst v2  }
0xa0: {  	s25 =	simm.s32 $0x14100;
	s26 =	simm.s32 $0x10080;
	s24 =	simm.s32 $0x18180;
	v2 =	vld [tilespmem:s28+$0x0]  }
.LBB2_11:
0xa1: {  	p2 =	sne.s32 s29, $0x1;
	_ =	sdelay $0x2  }
0xa2: {  	s25 =	sadd.s32 $0x10, s25  }
0xa3: {  	s26 =	sadd.s32 $0x10, s26;
	[tilespmem:s25+$0x0] =	vst v2  }
0xa4: {  	v2 =	vld [tilespmem:s26+$0x0];
	_ =	sdelay $0x1  }
.Ltmp11:
0xa5: {  	(pc) =	sbr.rel @p2 .LBB2_11-.Ltmp11, $4  }
0xa6: {  	_ = 	snop  }
0xa7: {  	s24 =	sadd.s32 $0x10, s24  }
0xa8: {  	s28 =	sadd.s32 $0x10, s28;
	[tilespmem:s24+$0x0] =	vst v2  }
0xa9: {  	s29 =	sadd.s32 $0xFFFFFFFF, s29;
	v2 =	vld [tilespmem:s28+$0x0]  }
.LBB2_12:
0xaa: {  	_ =	sdelay $0x1  }
0xab: {  	s25 =	sadd.s32 @p1 $0x10, s25;
	s28 =	simm.s32 $0x14100  }
0xac: {  	s28 =	smov.u32 @p1 s25;
	s25 =	sadd.s32 @p1 $0x10, s26  }
0xad: {  	s22 =	smov.u32 @p1 s25;
	[tilespmem:s28+$0x0] =	vst v2  }
0xae: {  	v2 =	vld [tilespmem:s22+$0x0];
	_ =	sdelay $0x1  }
0xaf: {  	s22 =	sadd.s32 @p1 $0x10, s24;
	s24 =	simm.s32 $0x18180  }
0xb0: {  	s24 =	smov.u32 @p1 s22;
	p1 =	sne.s32 s23, $0x1  }
.Ltmp12:
0xb1: {  	_ = 	snop;
	(pc) =	sbr.rel @!p1 .LBB2_14-.Ltmp12, $4  }
0xb2: {  	[tilespmem:s24+$0x0] =	vst v2  }
0xb3: {  	[spmem:s1] =	stream.indirect.scatter [tilespmem:s21], [sflag:$0x1], $0x1, s20, s16, $0xb8;
	[tilespmem:$0x1FF18] =	vst v63  }
0xb4: {  	_ =	swait.ge [sflag:s10], $0x80  }
0xb5: {  	s22 =	sadd.s32 $0xFFFFFFFF, s23;
	[sflag:s10] =	ssyncset.done $0x0  }
.LBB2_13:
0xb6: {  	[sflag:s10] =	ssyncadd.s32 $0xFFFFFF80  }
0xb7: {  	s21 =	sadd.s32 $0x80, s21;
	s20 =	sadd.s32 $0x80, s20;
	p1 =	sne.s32 s22, $0x1  }
.Ltmp13:
0xb8: {  	s22 =	sadd.s32 $0xFFFFFFFF, s22;
	(pc) =	sbr.rel @p1 .LBB2_13-.Ltmp13, $4  }
0xb9: {  	_ = 	snop  }
0xba: {  	[spmem:s1] =	stream.indirect.scatter [tilespmem:s21], [sflag:$0x1], $0x1, s20, s16, $0xb8;
	[tilespmem:$0x1FF18] =	vst v63  }
0xbb: {  	_ =	swait.ge [sflag:s10], $0x80  }
0xbc: {  	[sflag:s10] =	ssyncset.done $0x0  }
.Ltmp14:
0xbd: {  	_ = 	snop;
	(pc) =	sbr.rel .LBB2_14-.Ltmp14, $1  }
0xbe: {  	_ =	sdelay $0x3  }
.LBB2_8:
.Ltmp15:
0xbf: {  	(pc) =	sbr.rel .LBB2_12-.Ltmp15, $2  }
0xc0: {  	_ =	sdelay $0x2  }
0xc1: {  	s25 =	simm.s32 $0x14100;
	s26 =	simm.s32 $0x10080;
	s24 =	simm.s32 $0x18180  }
.LBB2_10:
.Ltmp16:
0xc2: {  	(pc) =	sbr.rel .LBB2_12-.Ltmp16, $2  }
0xc3: {  	_ =	sdelay $0x2  }
0xc4: {  	s25 =	simm.s32 $0x14100;
	s26 =	simm.s32 $0x10080;
	s24 =	simm.s32 $0x18180  }
.LBB2_17:
0xc5: {  	_ =	sfence.sel $0x180000  }
0xc6: {  	[bflag:$0x0] =	sbarrier.arrive $0xFFFF  }
0xc7: {  	_ =	strace $0x9000004A  }
0xc8: {  	s0 =	sadd.s32 @!p0 $0x100000, s0;
	[bflag:$0x2] =	sbarrier.arrive $0xFFFF  }
0xc9: {  	[sflag:s0] =	ssyncadd.tile.s32 @!p0 $0x1;
	_ =	shalt  }
.Lfunc_end2:
_tile_overlayer_lowered:
.L_overlay_start_2:
0xca: {  	(tag) =	ssettag $0x2  }
0xcb: {  	s0 =	rddreg [dreg:$0x0];
	s2 =	stileid.u32  }
0xcc: {  	s1 =	rddreg [dreg:$0x1];
	p0 =	sne.s32 s2, $0x0  }
0xcd: {  	s3 =	rddreg [dreg:$0x2];
	[bflag:$0x3] =	sbarrier.arrive $0xFFFF;
	s2 =	simm.s32 @!p0 $0x1C01  }
0xce: {  	[timem:s3], [sflag:s2] =	dma.local @!p0 [hbm:s0], s1  }
0xcf: {  	s0 =	simm.s32 @!p0 $0x1  }
0xd0: {  	_ =	swait.ge @!p0 [sflag:s0], s1  }
0xd1: {  	s1 =	ssub.s32 @!p0 $0x0, s1;
	[sflag:s0] =	ssyncset.done @!p0 $0x0  }
0xd2: {  	[sflag:s0] =	ssyncadd.s32 @!p0 s1  }
0xd3: {  	[bflag:$0x3] =	sbarrier.arrive $0xFFFF  }
0xd4: {  	_ =	shalt  }

</sc_bundles>
